<compile_context>
chip_gen: v7x
topology: tpu7x:2x2x1
jax: 0.10.2.dev20260603
libtpu: 0.0.44.dev20260713+nightly
codegen_flags: <defaults>
</compile_context>

<pallas_src>
import functools

import jax
import jax.numpy as jnp
from jax import lax
from jax.experimental import pallas as pl
from jax.experimental.pallas import tpu as pltpu, tpu_sc as plsc

VOCAB = 1000000
EMBED_DIM = 32
BATCH = 16384

_info = plsc.get_sparse_core_info()
_NC, _NS = _info.num_cores, _info.num_subcores
_NW = _NC * _NS
_BPW = BATCH // _NW
_CHUNK = 128
_NCHUNK = _BPW // _CHUNK
_BLK = 8


def _make_gather():
    mesh = plsc.VectorSubcoreMesh(core_axis_name="c", subcore_axis_name="s")

    @functools.partial(
        pl.kernel,
        mesh=mesh,
        compiler_params=pltpu.CompilerParams(use_tc_tiling_on_sc=False),
        out_type=jax.ShapeDtypeStruct(
            (_NW, _NCHUNK, _CHUNK, _BLK, EMBED_DIM), jnp.float32
        ),
        scratch_types=[
            pltpu.VMEM((_NCHUNK, _CHUNK), jnp.int32),
            pltpu.VMEM((2, _CHUNK, _BLK, EMBED_DIM), jnp.float32),
            pltpu.SemaphoreType.DMA,
            pltpu.SemaphoreType.DMA,
        ],
    )
    def gather_kernel(idx_hbm, table_hbm, out_hbm, idx_v, rows_v, sem0, sem1):
        wid = lax.axis_index("s") * _NC + lax.axis_index("c")
        pltpu.sync_copy(idx_hbm.at[wid], idx_v)
        sems = [sem0, sem1]
        cps = [
            pltpu.async_copy(table_hbm.at[idx_v.at[c]], rows_v.at[c], sems[c])
            for c in range(2)
        ]
        for c in range(_NCHUNK):
            b = c % 2
            cps[b].wait()
            pltpu.sync_copy(rows_v.at[b], out_hbm.at[wid, c])
            nxt = c + 2
            if nxt < _NCHUNK:
                cps[b] = pltpu.async_copy(
                    table_hbm.at[idx_v.at[nxt]], rows_v.at[b], sems[b]
                )

    return gather_kernel


_gather = _make_gather()


def kernel(anime_id, embedding_table):
    idx = anime_id.astype(jnp.int32)
    blk = (idx >> 3).reshape(_NW, _NCHUNK, _CHUNK)
    sub = (idx & 7).reshape(BATCH, 1, 1)
    table3 = embedding_table.reshape(VOCAB // _BLK, _BLK, EMBED_DIM)
    blocks = _gather(blk, table3).reshape(BATCH, _BLK, EMBED_DIM)
    return jnp.take_along_axis(blocks, sub, axis=1).reshape(BATCH, EMBED_DIM)

# --- scband reference (transcript-rebuilt; emitter-appended) ---
"""Pipeline reference for scband-simple-anime-model-20169166422531 (READ-ONLY COPY).

The authoritative reference and input builder live on the scoring server;
editing this copy changes nothing except your own understanding.
"""

import jax, jax.numpy as jnp
import numpy as np

VOCAB = 1000000
EMBED_DIM = 32
BATCH = 16384

def setup_inputs(seed: int = 0) -> dict:
    key = jax.random.key(seed)
    k_idx, k_tab = jax.random.split(key)
    anime_id = jax.random.randint(k_idx, (BATCH,), 0, VOCAB, dtype=jnp.int64 if jax.config.jax_enable_x64 else jnp.int32)
    # Embedding table (Keras Embedding default: uniform init)
    embedding_table = jax.random.uniform(k_tab, (VOCAB, EMBED_DIM), dtype=jnp.float32, minval=-0.05, maxval=0.05)
    return {"anime_id": anime_id, "embedding_table": embedding_table}

def reference(anime_id, embedding_table):
    # StringLookup is an id->index mapping; here indices are already integers
    # (identity mapping of the lookup layer). Embedding lookup = row gather.
    anime_embedding = jnp.take(embedding_table, anime_id, axis=0)
    return anime_embedding

if __name__ == "__main__":
    import jax
    _d = setup_inputs()
    print(jax.jit(kernel)(*tuple(_d.values())))

</pallas_src>

<mosaic_0001>
#map = affine_map<(d0, d1) -> (0, 0, 0)>
#map1 = affine_map<(d0, d1) -> (0, 0, 0, 0, 0)>
module attributes {stable_mosaic.version = 14 : i64} {
  func.func @gather_kernel(%arg0: i32, %arg1: i32, %arg2: memref<32x4x128xi32, #tpu.memory_space<hbm>>, %arg3: memref<125000x8x32xf32, #tpu.memory_space<hbm>>, %arg4: memref<32x4x128x8x32xf32, #tpu.memory_space<hbm>>, %arg5: memref<4x128xi32, #tpu.memory_space<vmem>>, %arg6: memref<2x128x8x32xf32, #tpu.memory_space<vmem>>, %arg7: memref<!tpu.dma_semaphore, #tpu.memory_space<semaphore_mem>>, %arg8: memref<!tpu.dma_semaphore, #tpu.memory_space<semaphore_mem>>) attributes {dimension_semantics = [#tpu.dimension_semantics<core_parallel>, #tpu.dimension_semantics<subcore_parallel>], iteration_bounds = array<i64: 2, 16>, scalar_prefetch = 0 : i64, scratch_operands = 4 : i64, tpu.core_type = #tpu.core_type<sc_vector_subcore>, window_params = [{transform_indices = #map}, {transform_indices = #map}, {transform_indices = #map1}]} {
    %mul3A = arith.constant 2 : i32
    %mul3A_0 = arith.muli %arg1, %mul3A : i32
    %add3A = arith.addi %mul3A_0, %arg0 : i32
    "tpu.region"() ({
      %run_scoped3A_118 = tpu.sem_alloc : memref<!tpu.dma_semaphore, #tpu.memory_space<semaphore_mem>>
      %dma_start3A_119 = arith.constant 0 : i32
      %dma_start3A_120 = arith.constant 0 : i32
      %dma_start3A_121 = tpu.memref_slice %arg2[%add3A, %dma_start3A_119, %dma_start3A_120] : memref<32x4x128xi32, #tpu.memory_space<hbm>> -> memref<1x4x128xi32, #tpu.memory_space<hbm>>
      %dma_start3A_122 = tpu.memref_squeeze %dma_start3A_121 : memref<1x4x128xi32, #tpu.memory_space<hbm>> -> memref<4x128xi32, #tpu.memory_space<hbm>>
      %dma_start3A_123 = arith.constant 0 : i32
      %dma_start3A_124 = arith.constant 0 : i32
      %dma_start3A_125 = tpu.memref_slice %arg2[%add3A, %dma_start3A_123, %dma_start3A_124] : memref<32x4x128xi32, #tpu.memory_space<hbm>> -> memref<1x4x128xi32, #tpu.memory_space<hbm>>
      %dma_start3A_126 = tpu.memref_squeeze %dma_start3A_125 : memref<1x4x128xi32, #tpu.memory_space<hbm>> -> memref<4x128xi32, #tpu.memory_space<hbm>>
      tpu.enqueue_dma source(%dma_start3A_126 : memref<4x128xi32, #tpu.memory_space<hbm>>) target(%arg5 : memref<4x128xi32, #tpu.memory_space<vmem>>) target_semaphore(%run_scoped3A_118 : memref<!tpu.dma_semaphore, #tpu.memory_space<semaphore_mem>>)
      %dma_wait3A_127 = arith.constant 0 : i32
      %dma_wait3A_128 = arith.constant 0 : i32
      %dma_wait3A_129 = tpu.memref_slice %arg2[%add3A, %dma_wait3A_127, %dma_wait3A_128] : memref<32x4x128xi32, #tpu.memory_space<hbm>> -> memref<1x4x128xi32, #tpu.memory_space<hbm>>
      %dma_wait3A_130 = tpu.memref_squeeze %dma_wait3A_129 : memref<1x4x128xi32, #tpu.memory_space<hbm>> -> memref<4x128xi32, #tpu.memory_space<hbm>>
      %dma_wait3A_131 = arith.constant 0 : i32
      %dma_wait3A_132 = arith.constant 0 : i32
      %dma_wait3A_133 = tpu.memref_slice %arg2[%add3A, %dma_wait3A_131, %dma_wait3A_132] : memref<32x4x128xi32, #tpu.memory_space<hbm>> -> memref<1x4x128xi32, #tpu.memory_space<hbm>>
      %dma_wait3A_134 = tpu.memref_squeeze %dma_wait3A_133 : memref<1x4x128xi32, #tpu.memory_space<hbm>> -> memref<4x128xi32, #tpu.memory_space<hbm>>
      tpu.wait_dma2 semaphore(%run_scoped3A_118 : memref<!tpu.dma_semaphore, #tpu.memory_space<semaphore_mem>>) src(%dma_wait3A_134 : memref<4x128xi32, #tpu.memory_space<hbm>>) dst(%arg5 : memref<4x128xi32, #tpu.memory_space<vmem>>)
      tpu.yield
    }) : () -> ()
    %dma_start3A = arith.constant 0 : i32
    %dma_start3A_1 = arith.constant 0 : i32
    %dma_start3A_2 = arith.constant 0 : i32
    %dma_start3A_3 = arith.constant 0 : i32
    %dma_start3A_4 = arith.constant 0 : i32
    %dma_start3A_5 = tpu.memref_slice %arg6[%dma_start3A_1, %dma_start3A_2, %dma_start3A_3, %dma_start3A_4] : memref<2x128x8x32xf32, #tpu.memory_space<vmem>> -> memref<1x128x8x32xf32, #tpu.memory_space<vmem>>
    %dma_start3A_6 = tpu.memref_squeeze %dma_start3A_5 : memref<1x128x8x32xf32, #tpu.memory_space<vmem>> -> memref<128x8x32xf32, #tpu.memory_space<vmem>>
    %dma_start3A_7 = arith.constant 0 : i32
    %dma_start3A_8 = tpu.memref_slice %arg5[%dma_start3A, %dma_start3A_7] : memref<4x128xi32, #tpu.memory_space<vmem>> -> memref<1x128xi32, #tpu.memory_space<vmem>>
    %dma_start3A_9 = tpu.memref_squeeze %dma_start3A_8 : memref<1x128xi32, #tpu.memory_space<vmem>> -> memref<128xi32, #tpu.memory_space<vmem>>
    %dma_start3A_10 = arith.constant 0 : i32
    %dma_start3A_11 = arith.constant 0 : i32
    %dma_start3A_12 = arith.constant 0 : i32
    %dma_start3A_13 = tpu.memref_slice %arg3[%dma_start3A_10, %dma_start3A_11, %dma_start3A_12] : memref<125000x8x32xf32, #tpu.memory_space<hbm>> -> memref<125000x8x32xf32, #tpu.memory_space<hbm>>
    tpu.enqueue_indirect_dma source(%dma_start3A_13 : memref<125000x8x32xf32, #tpu.memory_space<hbm>>) target(%dma_start3A_6 : memref<128x8x32xf32, #tpu.memory_space<vmem>>) offsets(%dma_start3A_9 : memref<128xi32, #tpu.memory_space<vmem>>) semaphore(%arg7 : memref<!tpu.dma_semaphore, #tpu.memory_space<semaphore_mem>>)
    %dma_start3A_14 = arith.constant 1 : i32
    %dma_start3A_15 = arith.constant 1 : i32
    %dma_start3A_16 = arith.constant 0 : i32
    %dma_start3A_17 = arith.constant 0 : i32
    %dma_start3A_18 = arith.constant 0 : i32
    %dma_start3A_19 = tpu.memref_slice %arg6[%dma_start3A_15, %dma_start3A_16, %dma_start3A_17, %dma_start3A_18] : memref<2x128x8x32xf32, #tpu.memory_space<vmem>> -> memref<1x128x8x32xf32, #tpu.memory_space<vmem>>
    %dma_start3A_20 = tpu.memref_squeeze %dma_start3A_19 : memref<1x128x8x32xf32, #tpu.memory_space<vmem>> -> memref<128x8x32xf32, #tpu.memory_space<vmem>>
    %dma_start3A_21 = arith.constant 0 : i32
    %dma_start3A_22 = tpu.memref_slice %arg5[%dma_start3A_14, %dma_start3A_21] : memref<4x128xi32, #tpu.memory_space<vmem>> -> memref<1x128xi32, #tpu.memory_space<vmem>>
    %dma_start3A_23 = tpu.memref_squeeze %dma_start3A_22 : memref<1x128xi32, #tpu.memory_space<vmem>> -> memref<128xi32, #tpu.memory_space<vmem>>
    %dma_start3A_24 = arith.constant 0 : i32
    %dma_start3A_25 = arith.constant 0 : i32
    %dma_start3A_26 = arith.constant 0 : i32
    %dma_start3A_27 = tpu.memref_slice %arg3[%dma_start3A_24, %dma_start3A_25, %dma_start3A_26] : memref<125000x8x32xf32, #tpu.memory_space<hbm>> -> memref<125000x8x32xf32, #tpu.memory_space<hbm>>
    tpu.enqueue_indirect_dma source(%dma_start3A_27 : memref<125000x8x32xf32, #tpu.memory_space<hbm>>) target(%dma_start3A_20 : memref<128x8x32xf32, #tpu.memory_space<vmem>>) offsets(%dma_start3A_23 : memref<128xi32, #tpu.memory_space<vmem>>) semaphore(%arg8 : memref<!tpu.dma_semaphore, #tpu.memory_space<semaphore_mem>>)
    %dma_wait3A = arith.constant 0 : i32
    %dma_wait3A_28 = arith.constant 0 : i32
    %dma_wait3A_29 = arith.constant 0 : i32
    %dma_wait3A_30 = arith.constant 0 : i32
    %dma_wait3A_31 = arith.constant 0 : i32
    %dma_wait3A_32 = tpu.memref_slice %arg6[%dma_wait3A_28, %dma_wait3A_29, %dma_wait3A_30, %dma_wait3A_31] : memref<2x128x8x32xf32, #tpu.memory_space<vmem>> -> memref<1x128x8x32xf32, #tpu.memory_space<vmem>>
    %dma_wait3A_33 = tpu.memref_squeeze %dma_wait3A_32 : memref<1x128x8x32xf32, #tpu.memory_space<vmem>> -> memref<128x8x32xf32, #tpu.memory_space<vmem>>
    %dma_wait3A_34 = arith.constant 0 : i32
    %dma_wait3A_35 = tpu.memref_slice %arg5[%dma_wait3A, %dma_wait3A_34] : memref<4x128xi32, #tpu.memory_space<vmem>> -> memref<1x128xi32, #tpu.memory_space<vmem>>
    %dma_wait3A_36 = tpu.memref_squeeze %dma_wait3A_35 : memref<1x128xi32, #tpu.memory_space<vmem>> -> memref<128xi32, #tpu.memory_space<vmem>>
    %dma_wait3A_37 = arith.constant 0 : i32
    %dma_wait3A_38 = arith.constant 0 : i32
    %dma_wait3A_39 = arith.constant 0 : i32
    %dma_wait3A_40 = tpu.memref_slice %arg3[%dma_wait3A_37, %dma_wait3A_38, %dma_wait3A_39] : memref<125000x8x32xf32, #tpu.memory_space<hbm>> -> memref<125000x8x32xf32, #tpu.memory_space<hbm>>
    tpu.wait_indirect_dma semaphore(%arg7 : memref<!tpu.dma_semaphore, #tpu.memory_space<semaphore_mem>>) src(%dma_wait3A_40 : memref<125000x8x32xf32, #tpu.memory_space<hbm>>) dst(%dma_wait3A_33 : memref<128x8x32xf32, #tpu.memory_space<vmem>>)
    %run_scoped3A = arith.constant 0 : i32
    %run_scoped3A_41 = arith.constant 0 : i32
    "tpu.region"() ({
      %run_scoped3A_118 = tpu.sem_alloc : memref<!tpu.dma_semaphore, #tpu.memory_space<semaphore_mem>>
      %dma_start3A_119 = arith.constant 0 : i32
      %dma_start3A_120 = arith.constant 0 : i32
      %dma_start3A_121 = arith.constant 0 : i32
      %dma_start3A_122 = tpu.memref_slice %arg6[%run_scoped3A, %dma_start3A_119, %dma_start3A_120, %dma_start3A_121] : memref<2x128x8x32xf32, #tpu.memory_space<vmem>> -> memref<1x128x8x32xf32, #tpu.memory_space<vmem>>
      %dma_start3A_123 = tpu.memref_squeeze %dma_start3A_122 : memref<1x128x8x32xf32, #tpu.memory_space<vmem>> -> memref<128x8x32xf32, #tpu.memory_space<vmem>>
      %dma_start3A_124 = arith.constant 0 : i32
      %dma_start3A_125 = arith.constant 0 : i32
      %dma_start3A_126 = arith.constant 0 : i32
      %dma_start3A_127 = tpu.memref_slice %arg4[%add3A, %run_scoped3A_41, %dma_start3A_124, %dma_start3A_125, %dma_start3A_126] : memref<32x4x128x8x32xf32, #tpu.memory_space<hbm>> -> memref<1x1x128x8x32xf32, #tpu.memory_space<hbm>>
      %dma_start3A_128 = tpu.memref_squeeze %dma_start3A_127 : memref<1x1x128x8x32xf32, #tpu.memory_space<hbm>> -> memref<128x8x32xf32, #tpu.memory_space<hbm>>
      %dma_start3A_129 = arith.constant 0 : i32
      %dma_start3A_130 = arith.constant 0 : i32
      %dma_start3A_131 = arith.constant 0 : i32
      %dma_start3A_132 = tpu.memref_slice %arg4[%add3A, %run_scoped3A_41, %dma_start3A_129, %dma_start3A_130, %dma_start3A_131] : memref<32x4x128x8x32xf32, #tpu.memory_space<hbm>> -> memref<1x1x128x8x32xf32, #tpu.memory_space<hbm>>
      %dma_start3A_133 = tpu.memref_squeeze %dma_start3A_132 : memref<1x1x128x8x32xf32, #tpu.memory_space<hbm>> -> memref<128x8x32xf32, #tpu.memory_space<hbm>>
      %dma_start3A_134 = arith.constant 0 : i32
      %dma_start3A_135 = arith.constant 0 : i32
      %dma_start3A_136 = arith.constant 0 : i32
      %dma_start3A_137 = tpu.memref_slice %arg6[%run_scoped3A, %dma_start3A_134, %dma_start3A_135, %dma_start3A_136] : memref<2x128x8x32xf32, #tpu.memory_space<vmem>> -> memref<1x128x8x32xf32, #tpu.memory_space<vmem>>
      %dma_start3A_138 = tpu.memref_squeeze %dma_start3A_137 : memref<1x128x8x32xf32, #tpu.memory_space<vmem>> -> memref<128x8x32xf32, #tpu.memory_space<vmem>>
      tpu.enqueue_dma source(%dma_start3A_138 : memref<128x8x32xf32, #tpu.memory_space<vmem>>) target(%dma_start3A_133 : memref<128x8x32xf32, #tpu.memory_space<hbm>>) target_semaphore(%run_scoped3A_118 : memref<!tpu.dma_semaphore, #tpu.memory_space<semaphore_mem>>)
      %dma_wait3A_139 = arith.constant 0 : i32
      %dma_wait3A_140 = arith.constant 0 : i32
      %dma_wait3A_141 = arith.constant 0 : i32
      %dma_wait3A_142 = tpu.memref_slice %arg6[%run_scoped3A, %dma_wait3A_139, %dma_wait3A_140, %dma_wait3A_141] : memref<2x128x8x32xf32, #tpu.memory_space<vmem>> -> memref<1x128x8x32xf32, #tpu.memory_space<vmem>>
      %dma_wait3A_143 = tpu.memref_squeeze %dma_wait3A_142 : memref<1x128x8x32xf32, #tpu.memory_space<vmem>> -> memref<128x8x32xf32, #tpu.memory_space<vmem>>
      %dma_wait3A_144 = arith.constant 0 : i32
      %dma_wait3A_145 = arith.constant 0 : i32
      %dma_wait3A_146 = arith.constant 0 : i32
      %dma_wait3A_147 = tpu.memref_slice %arg4[%add3A, %run_scoped3A_41, %dma_wait3A_144, %dma_wait3A_145, %dma_wait3A_146] : memref<32x4x128x8x32xf32, #tpu.memory_space<hbm>> -> memref<1x1x128x8x32xf32, #tpu.memory_space<hbm>>
      %dma_wait3A_148 = tpu.memref_squeeze %dma_wait3A_147 : memref<1x1x128x8x32xf32, #tpu.memory_space<hbm>> -> memref<128x8x32xf32, #tpu.memory_space<hbm>>
      %dma_wait3A_149 = arith.constant 0 : i32
      %dma_wait3A_150 = arith.constant 0 : i32
      %dma_wait3A_151 = arith.constant 0 : i32
      %dma_wait3A_152 = tpu.memref_slice %arg4[%add3A, %run_scoped3A_41, %dma_wait3A_149, %dma_wait3A_150, %dma_wait3A_151] : memref<32x4x128x8x32xf32, #tpu.memory_space<hbm>> -> memref<1x1x128x8x32xf32, #tpu.memory_space<hbm>>
      %dma_wait3A_153 = tpu.memref_squeeze %dma_wait3A_152 : memref<1x1x128x8x32xf32, #tpu.memory_space<hbm>> -> memref<128x8x32xf32, #tpu.memory_space<hbm>>
      %dma_wait3A_154 = arith.constant 0 : i32
      %dma_wait3A_155 = arith.constant 0 : i32
      %dma_wait3A_156 = arith.constant 0 : i32
      %dma_wait3A_157 = tpu.memref_slice %arg6[%run_scoped3A, %dma_wait3A_154, %dma_wait3A_155, %dma_wait3A_156] : memref<2x128x8x32xf32, #tpu.memory_space<vmem>> -> memref<1x128x8x32xf32, #tpu.memory_space<vmem>>
      %dma_wait3A_158 = tpu.memref_squeeze %dma_wait3A_157 : memref<1x128x8x32xf32, #tpu.memory_space<vmem>> -> memref<128x8x32xf32, #tpu.memory_space<vmem>>
      tpu.wait_dma2 semaphore(%run_scoped3A_118 : memref<!tpu.dma_semaphore, #tpu.memory_space<semaphore_mem>>) src(%dma_wait3A_158 : memref<128x8x32xf32, #tpu.memory_space<vmem>>) dst(%dma_wait3A_153 : memref<128x8x32xf32, #tpu.memory_space<hbm>>)
      tpu.yield
    }) : () -> ()
    %dma_start3A_42 = arith.constant 2 : i32
    %dma_start3A_43 = arith.constant 0 : i32
    %dma_start3A_44 = arith.constant 0 : i32
    %dma_start3A_45 = arith.constant 0 : i32
    %dma_start3A_46 = arith.constant 0 : i32
    %dma_start3A_47 = tpu.memref_slice %arg6[%dma_start3A_43, %dma_start3A_44, %dma_start3A_45, %dma_start3A_46] : memref<2x128x8x32xf32, #tpu.memory_space<vmem>> -> memref<1x128x8x32xf32, #tpu.memory_space<vmem>>
    %dma_start3A_48 = tpu.memref_squeeze %dma_start3A_47 : memref<1x128x8x32xf32, #tpu.memory_space<vmem>> -> memref<128x8x32xf32, #tpu.memory_space<vmem>>
    %dma_start3A_49 = arith.constant 0 : i32
    %dma_start3A_50 = tpu.memref_slice %arg5[%dma_start3A_42, %dma_start3A_49] : memref<4x128xi32, #tpu.memory_space<vmem>> -> memref<1x128xi32, #tpu.memory_space<vmem>>
    %dma_start3A_51 = tpu.memref_squeeze %dma_start3A_50 : memref<1x128xi32, #tpu.memory_space<vmem>> -> memref<128xi32, #tpu.memory_space<vmem>>
    %dma_start3A_52 = arith.constant 0 : i32
    %dma_start3A_53 = arith.constant 0 : i32
    %dma_start3A_54 = arith.constant 0 : i32
    %dma_start3A_55 = tpu.memref_slice %arg3[%dma_start3A_52, %dma_start3A_53, %dma_start3A_54] : memref<125000x8x32xf32, #tpu.memory_space<hbm>> -> memref<125000x8x32xf32, #tpu.memory_space<hbm>>
    tpu.enqueue_indirect_dma source(%dma_start3A_55 : memref<125000x8x32xf32, #tpu.memory_space<hbm>>) target(%dma_start3A_48 : memref<128x8x32xf32, #tpu.memory_space<vmem>>) offsets(%dma_start3A_51 : memref<128xi32, #tpu.memory_space<vmem>>) semaphore(%arg7 : memref<!tpu.dma_semaphore, #tpu.memory_space<semaphore_mem>>)
    %dma_wait3A_56 = arith.constant 1 : i32
    %dma_wait3A_57 = arith.constant 1 : i32
    %dma_wait3A_58 = arith.constant 0 : i32
    %dma_wait3A_59 = arith.constant 0 : i32
    %dma_wait3A_60 = arith.constant 0 : i32
    %dma_wait3A_61 = tpu.memref_slice %arg6[%dma_wait3A_57, %dma_wait3A_58, %dma_wait3A_59, %dma_wait3A_60] : memref<2x128x8x32xf32, #tpu.memory_space<vmem>> -> memref<1x128x8x32xf32, #tpu.memory_space<vmem>>
    %dma_wait3A_62 = tpu.memref_squeeze %dma_wait3A_61 : memref<1x128x8x32xf32, #tpu.memory_space<vmem>> -> memref<128x8x32xf32, #tpu.memory_space<vmem>>
    %dma_wait3A_63 = arith.constant 0 : i32
    %dma_wait3A_64 = tpu.memref_slice %arg5[%dma_wait3A_56, %dma_wait3A_63] : memref<4x128xi32, #tpu.memory_space<vmem>> -> memref<1x128xi32, #tpu.memory_space<vmem>>
    %dma_wait3A_65 = tpu.memref_squeeze %dma_wait3A_64 : memref<1x128xi32, #tpu.memory_space<vmem>> -> memref<128xi32, #tpu.memory_space<vmem>>
    %dma_wait3A_66 = arith.constant 0 : i32
    %dma_wait3A_67 = arith.constant 0 : i32
    %dma_wait3A_68 = arith.constant 0 : i32
    %dma_wait3A_69 = tpu.memref_slice %arg3[%dma_wait3A_66, %dma_wait3A_67, %dma_wait3A_68] : memref<125000x8x32xf32, #tpu.memory_space<hbm>> -> memref<125000x8x32xf32, #tpu.memory_space<hbm>>
    tpu.wait_indirect_dma semaphore(%arg8 : memref<!tpu.dma_semaphore, #tpu.memory_space<semaphore_mem>>) src(%dma_wait3A_69 : memref<125000x8x32xf32, #tpu.memory_space<hbm>>) dst(%dma_wait3A_62 : memref<128x8x32xf32, #tpu.memory_space<vmem>>)
    %run_scoped3A_70 = arith.constant 1 : i32
    %run_scoped3A_71 = arith.constant 1 : i32
    "tpu.region"() ({
      %run_scoped3A_118 = tpu.sem_alloc : memref<!tpu.dma_semaphore, #tpu.memory_space<semaphore_mem>>
      %dma_start3A_119 = arith.constant 0 : i32
      %dma_start3A_120 = arith.constant 0 : i32
      %dma_start3A_121 = arith.constant 0 : i32
      %dma_start3A_122 = tpu.memref_slice %arg6[%run_scoped3A_70, %dma_start3A_119, %dma_start3A_120, %dma_start3A_121] : memref<2x128x8x32xf32, #tpu.memory_space<vmem>> -> memref<1x128x8x32xf32, #tpu.memory_space<vmem>>
      %dma_start3A_123 = tpu.memref_squeeze %dma_start3A_122 : memref<1x128x8x32xf32, #tpu.memory_space<vmem>> -> memref<128x8x32xf32, #tpu.memory_space<vmem>>
      %dma_start3A_124 = arith.constant 0 : i32
      %dma_start3A_125 = arith.constant 0 : i32
      %dma_start3A_126 = arith.constant 0 : i32
      %dma_start3A_127 = tpu.memref_slice %arg4[%add3A, %run_scoped3A_71, %dma_start3A_124, %dma_start3A_125, %dma_start3A_126] : memref<32x4x128x8x32xf32, #tpu.memory_space<hbm>> -> memref<1x1x128x8x32xf32, #tpu.memory_space<hbm>>
      %dma_start3A_128 = tpu.memref_squeeze %dma_start3A_127 : memref<1x1x128x8x32xf32, #tpu.memory_space<hbm>> -> memref<128x8x32xf32, #tpu.memory_space<hbm>>
      %dma_start3A_129 = arith.constant 0 : i32
      %dma_start3A_130 = arith.constant 0 : i32
      %dma_start3A_131 = arith.constant 0 : i32
      %dma_start3A_132 = tpu.memref_slice %arg4[%add3A, %run_scoped3A_71, %dma_start3A_129, %dma_start3A_130, %dma_start3A_131] : memref<32x4x128x8x32xf32, #tpu.memory_space<hbm>> -> memref<1x1x128x8x32xf32, #tpu.memory_space<hbm>>
      %dma_start3A_133 = tpu.memref_squeeze %dma_start3A_132 : memref<1x1x128x8x32xf32, #tpu.memory_space<hbm>> -> memref<128x8x32xf32, #tpu.memory_space<hbm>>
      %dma_start3A_134 = arith.constant 0 : i32
      %dma_start3A_135 = arith.constant 0 : i32
      %dma_start3A_136 = arith.constant 0 : i32
      %dma_start3A_137 = tpu.memref_slice %arg6[%run_scoped3A_70, %dma_start3A_134, %dma_start3A_135, %dma_start3A_136] : memref<2x128x8x32xf32, #tpu.memory_space<vmem>> -> memref<1x128x8x32xf32, #tpu.memory_space<vmem>>
      %dma_start3A_138 = tpu.memref_squeeze %dma_start3A_137 : memref<1x128x8x32xf32, #tpu.memory_space<vmem>> -> memref<128x8x32xf32, #tpu.memory_space<vmem>>
      tpu.enqueue_dma source(%dma_start3A_138 : memref<128x8x32xf32, #tpu.memory_space<vmem>>) target(%dma_start3A_133 : memref<128x8x32xf32, #tpu.memory_space<hbm>>) target_semaphore(%run_scoped3A_118 : memref<!tpu.dma_semaphore, #tpu.memory_space<semaphore_mem>>)
      %dma_wait3A_139 = arith.constant 0 : i32
      %dma_wait3A_140 = arith.constant 0 : i32
      %dma_wait3A_141 = arith.constant 0 : i32
      %dma_wait3A_142 = tpu.memref_slice %arg6[%run_scoped3A_70, %dma_wait3A_139, %dma_wait3A_140, %dma_wait3A_141] : memref<2x128x8x32xf32, #tpu.memory_space<vmem>> -> memref<1x128x8x32xf32, #tpu.memory_space<vmem>>
      %dma_wait3A_143 = tpu.memref_squeeze %dma_wait3A_142 : memref<1x128x8x32xf32, #tpu.memory_space<vmem>> -> memref<128x8x32xf32, #tpu.memory_space<vmem>>
      %dma_wait3A_144 = arith.constant 0 : i32
      %dma_wait3A_145 = arith.constant 0 : i32
      %dma_wait3A_146 = arith.constant 0 : i32
      %dma_wait3A_147 = tpu.memref_slice %arg4[%add3A, %run_scoped3A_71, %dma_wait3A_144, %dma_wait3A_145, %dma_wait3A_146] : memref<32x4x128x8x32xf32, #tpu.memory_space<hbm>> -> memref<1x1x128x8x32xf32, #tpu.memory_space<hbm>>
      %dma_wait3A_148 = tpu.memref_squeeze %dma_wait3A_147 : memref<1x1x128x8x32xf32, #tpu.memory_space<hbm>> -> memref<128x8x32xf32, #tpu.memory_space<hbm>>
      %dma_wait3A_149 = arith.constant 0 : i32
      %dma_wait3A_150 = arith.constant 0 : i32
      %dma_wait3A_151 = arith.constant 0 : i32
      %dma_wait3A_152 = tpu.memref_slice %arg4[%add3A, %run_scoped3A_71, %dma_wait3A_149, %dma_wait3A_150, %dma_wait3A_151] : memref<32x4x128x8x32xf32, #tpu.memory_space<hbm>> -> memref<1x1x128x8x32xf32, #tpu.memory_space<hbm>>
      %dma_wait3A_153 = tpu.memref_squeeze %dma_wait3A_152 : memref<1x1x128x8x32xf32, #tpu.memory_space<hbm>> -> memref<128x8x32xf32, #tpu.memory_space<hbm>>
      %dma_wait3A_154 = arith.constant 0 : i32
      %dma_wait3A_155 = arith.constant 0 : i32
      %dma_wait3A_156 = arith.constant 0 : i32
      %dma_wait3A_157 = tpu.memref_slice %arg6[%run_scoped3A_70, %dma_wait3A_154, %dma_wait3A_155, %dma_wait3A_156] : memref<2x128x8x32xf32, #tpu.memory_space<vmem>> -> memref<1x128x8x32xf32, #tpu.memory_space<vmem>>
      %dma_wait3A_158 = tpu.memref_squeeze %dma_wait3A_157 : memref<1x128x8x32xf32, #tpu.memory_space<vmem>> -> memref<128x8x32xf32, #tpu.memory_space<vmem>>
      tpu.wait_dma2 semaphore(%run_scoped3A_118 : memref<!tpu.dma_semaphore, #tpu.memory_space<semaphore_mem>>) src(%dma_wait3A_158 : memref<128x8x32xf32, #tpu.memory_space<vmem>>) dst(%dma_wait3A_153 : memref<128x8x32xf32, #tpu.memory_space<hbm>>)
      tpu.yield
    }) : () -> ()
    %dma_start3A_72 = arith.constant 3 : i32
    %dma_start3A_73 = arith.constant 1 : i32
    %dma_start3A_74 = arith.constant 0 : i32
    %dma_start3A_75 = arith.constant 0 : i32
    %dma_start3A_76 = arith.constant 0 : i32
    %dma_start3A_77 = tpu.memref_slice %arg6[%dma_start3A_73, %dma_start3A_74, %dma_start3A_75, %dma_start3A_76] : memref<2x128x8x32xf32, #tpu.memory_space<vmem>> -> memref<1x128x8x32xf32, #tpu.memory_space<vmem>>
    %dma_start3A_78 = tpu.memref_squeeze %dma_start3A_77 : memref<1x128x8x32xf32, #tpu.memory_space<vmem>> -> memref<128x8x32xf32, #tpu.memory_space<vmem>>
    %dma_start3A_79 = arith.constant 0 : i32
    %dma_start3A_80 = tpu.memref_slice %arg5[%dma_start3A_72, %dma_start3A_79] : memref<4x128xi32, #tpu.memory_space<vmem>> -> memref<1x128xi32, #tpu.memory_space<vmem>>
    %dma_start3A_81 = tpu.memref_squeeze %dma_start3A_80 : memref<1x128xi32, #tpu.memory_space<vmem>> -> memref<128xi32, #tpu.memory_space<vmem>>
    %dma_start3A_82 = arith.constant 0 : i32
    %dma_start3A_83 = arith.constant 0 : i32
    %dma_start3A_84 = arith.constant 0 : i32
    %dma_start3A_85 = tpu.memref_slice %arg3[%dma_start3A_82, %dma_start3A_83, %dma_start3A_84] : memref<125000x8x32xf32, #tpu.memory_space<hbm>> -> memref<125000x8x32xf32, #tpu.memory_space<hbm>>
    tpu.enqueue_indirect_dma source(%dma_start3A_85 : memref<125000x8x32xf32, #tpu.memory_space<hbm>>) target(%dma_start3A_78 : memref<128x8x32xf32, #tpu.memory_space<vmem>>) offsets(%dma_start3A_81 : memref<128xi32, #tpu.memory_space<vmem>>) semaphore(%arg8 : memref<!tpu.dma_semaphore, #tpu.memory_space<semaphore_mem>>)
    %dma_wait3A_86 = arith.constant 2 : i32
    %dma_wait3A_87 = arith.constant 0 : i32
    %dma_wait3A_88 = arith.constant 0 : i32
    %dma_wait3A_89 = arith.constant 0 : i32
    %dma_wait3A_90 = arith.constant 0 : i32
    %dma_wait3A_91 = tpu.memref_slice %arg6[%dma_wait3A_87, %dma_wait3A_88, %dma_wait3A_89, %dma_wait3A_90] : memref<2x128x8x32xf32, #tpu.memory_space<vmem>> -> memref<1x128x8x32xf32, #tpu.memory_space<vmem>>
    %dma_wait3A_92 = tpu.memref_squeeze %dma_wait3A_91 : memref<1x128x8x32xf32, #tpu.memory_space<vmem>> -> memref<128x8x32xf32, #tpu.memory_space<vmem>>
    %dma_wait3A_93 = arith.constant 0 : i32
    %dma_wait3A_94 = tpu.memref_slice %arg5[%dma_wait3A_86, %dma_wait3A_93] : memref<4x128xi32, #tpu.memory_space<vmem>> -> memref<1x128xi32, #tpu.memory_space<vmem>>
    %dma_wait3A_95 = tpu.memref_squeeze %dma_wait3A_94 : memref<1x128xi32, #tpu.memory_space<vmem>> -> memref<128xi32, #tpu.memory_space<vmem>>
    %dma_wait3A_96 = arith.constant 0 : i32
    %dma_wait3A_97 = arith.constant 0 : i32
    %dma_wait3A_98 = arith.constant 0 : i32
    %dma_wait3A_99 = tpu.memref_slice %arg3[%dma_wait3A_96, %dma_wait3A_97, %dma_wait3A_98] : memref<125000x8x32xf32, #tpu.memory_space<hbm>> -> memref<125000x8x32xf32, #tpu.memory_space<hbm>>
    tpu.wait_indirect_dma semaphore(%arg7 : memref<!tpu.dma_semaphore, #tpu.memory_space<semaphore_mem>>) src(%dma_wait3A_99 : memref<125000x8x32xf32, #tpu.memory_space<hbm>>) dst(%dma_wait3A_92 : memref<128x8x32xf32, #tpu.memory_space<vmem>>)
    %run_scoped3A_100 = arith.constant 0 : i32
    %run_scoped3A_101 = arith.constant 2 : i32
    "tpu.region"() ({
      %run_scoped3A_118 = tpu.sem_alloc : memref<!tpu.dma_semaphore, #tpu.memory_space<semaphore_mem>>
      %dma_start3A_119 = arith.constant 0 : i32
      %dma_start3A_120 = arith.constant 0 : i32
      %dma_start3A_121 = arith.constant 0 : i32
      %dma_start3A_122 = tpu.memref_slice %arg6[%run_scoped3A_100, %dma_start3A_119, %dma_start3A_120, %dma_start3A_121] : memref<2x128x8x32xf32, #tpu.memory_space<vmem>> -> memref<1x128x8x32xf32, #tpu.memory_space<vmem>>
      %dma_start3A_123 = tpu.memref_squeeze %dma_start3A_122 : memref<1x128x8x32xf32, #tpu.memory_space<vmem>> -> memref<128x8x32xf32, #tpu.memory_space<vmem>>
      %dma_start3A_124 = arith.constant 0 : i32
      %dma_start3A_125 = arith.constant 0 : i32
      %dma_start3A_126 = arith.constant 0 : i32
      %dma_start3A_127 = tpu.memref_slice %arg4[%add3A, %run_scoped3A_101, %dma_start3A_124, %dma_start3A_125, %dma_start3A_126] : memref<32x4x128x8x32xf32, #tpu.memory_space<hbm>> -> memref<1x1x128x8x32xf32, #tpu.memory_space<hbm>>
      %dma_start3A_128 = tpu.memref_squeeze %dma_start3A_127 : memref<1x1x128x8x32xf32, #tpu.memory_space<hbm>> -> memref<128x8x32xf32, #tpu.memory_space<hbm>>
      %dma_start3A_129 = arith.constant 0 : i32
      %dma_start3A_130 = arith.constant 0 : i32
      %dma_start3A_131 = arith.constant 0 : i32
      %dma_start3A_132 = tpu.memref_slice %arg4[%add3A, %run_scoped3A_101, %dma_start3A_129, %dma_start3A_130, %dma_start3A_131] : memref<32x4x128x8x32xf32, #tpu.memory_space<hbm>> -> memref<1x1x128x8x32xf32, #tpu.memory_space<hbm>>
      %dma_start3A_133 = tpu.memref_squeeze %dma_start3A_132 : memref<1x1x128x8x32xf32, #tpu.memory_space<hbm>> -> memref<128x8x32xf32, #tpu.memory_space<hbm>>
      %dma_start3A_134 = arith.constant 0 : i32
      %dma_start3A_135 = arith.constant 0 : i32
      %dma_start3A_136 = arith.constant 0 : i32
      %dma_start3A_137 = tpu.memref_slice %arg6[%run_scoped3A_100, %dma_start3A_134, %dma_start3A_135, %dma_start3A_136] : memref<2x128x8x32xf32, #tpu.memory_space<vmem>> -> memref<1x128x8x32xf32, #tpu.memory_space<vmem>>
      %dma_start3A_138 = tpu.memref_squeeze %dma_start3A_137 : memref<1x128x8x32xf32, #tpu.memory_space<vmem>> -> memref<128x8x32xf32, #tpu.memory_space<vmem>>
      tpu.enqueue_dma source(%dma_start3A_138 : memref<128x8x32xf32, #tpu.memory_space<vmem>>) target(%dma_start3A_133 : memref<128x8x32xf32, #tpu.memory_space<hbm>>) target_semaphore(%run_scoped3A_118 : memref<!tpu.dma_semaphore, #tpu.memory_space<semaphore_mem>>)
      %dma_wait3A_139 = arith.constant 0 : i32
      %dma_wait3A_140 = arith.constant 0 : i32
      %dma_wait3A_141 = arith.constant 0 : i32
      %dma_wait3A_142 = tpu.memref_slice %arg6[%run_scoped3A_100, %dma_wait3A_139, %dma_wait3A_140, %dma_wait3A_141] : memref<2x128x8x32xf32, #tpu.memory_space<vmem>> -> memref<1x128x8x32xf32, #tpu.memory_space<vmem>>
      %dma_wait3A_143 = tpu.memref_squeeze %dma_wait3A_142 : memref<1x128x8x32xf32, #tpu.memory_space<vmem>> -> memref<128x8x32xf32, #tpu.memory_space<vmem>>
      %dma_wait3A_144 = arith.constant 0 : i32
      %dma_wait3A_145 = arith.constant 0 : i32
      %dma_wait3A_146 = arith.constant 0 : i32
      %dma_wait3A_147 = tpu.memref_slice %arg4[%add3A, %run_scoped3A_101, %dma_wait3A_144, %dma_wait3A_145, %dma_wait3A_146] : memref<32x4x128x8x32xf32, #tpu.memory_space<hbm>> -> memref<1x1x128x8x32xf32, #tpu.memory_space<hbm>>
      %dma_wait3A_148 = tpu.memref_squeeze %dma_wait3A_147 : memref<1x1x128x8x32xf32, #tpu.memory_space<hbm>> -> memref<128x8x32xf32, #tpu.memory_space<hbm>>
      %dma_wait3A_149 = arith.constant 0 : i32
      %dma_wait3A_150 = arith.constant 0 : i32
      %dma_wait3A_151 = arith.constant 0 : i32
      %dma_wait3A_152 = tpu.memref_slice %arg4[%add3A, %run_scoped3A_101, %dma_wait3A_149, %dma_wait3A_150, %dma_wait3A_151] : memref<32x4x128x8x32xf32, #tpu.memory_space<hbm>> -> memref<1x1x128x8x32xf32, #tpu.memory_space<hbm>>
      %dma_wait3A_153 = tpu.memref_squeeze %dma_wait3A_152 : memref<1x1x128x8x32xf32, #tpu.memory_space<hbm>> -> memref<128x8x32xf32, #tpu.memory_space<hbm>>
      %dma_wait3A_154 = arith.constant 0 : i32
      %dma_wait3A_155 = arith.constant 0 : i32
      %dma_wait3A_156 = arith.constant 0 : i32
      %dma_wait3A_157 = tpu.memref_slice %arg6[%run_scoped3A_100, %dma_wait3A_154, %dma_wait3A_155, %dma_wait3A_156] : memref<2x128x8x32xf32, #tpu.memory_space<vmem>> -> memref<1x128x8x32xf32, #tpu.memory_space<vmem>>
      %dma_wait3A_158 = tpu.memref_squeeze %dma_wait3A_157 : memref<1x128x8x32xf32, #tpu.memory_space<vmem>> -> memref<128x8x32xf32, #tpu.memory_space<vmem>>
      tpu.wait_dma2 semaphore(%run_scoped3A_118 : memref<!tpu.dma_semaphore, #tpu.memory_space<semaphore_mem>>) src(%dma_wait3A_158 : memref<128x8x32xf32, #tpu.memory_space<vmem>>) dst(%dma_wait3A_153 : memref<128x8x32xf32, #tpu.memory_space<hbm>>)
      tpu.yield
    }) : () -> ()
    %dma_wait3A_102 = arith.constant 3 : i32
    %dma_wait3A_103 = arith.constant 1 : i32
    %dma_wait3A_104 = arith.constant 0 : i32
    %dma_wait3A_105 = arith.constant 0 : i32
    %dma_wait3A_106 = arith.constant 0 : i32
    %dma_wait3A_107 = tpu.memref_slice %arg6[%dma_wait3A_103, %dma_wait3A_104, %dma_wait3A_105, %dma_wait3A_106] : memref<2x128x8x32xf32, #tpu.memory_space<vmem>> -> memref<1x128x8x32xf32, #tpu.memory_space<vmem>>
    %dma_wait3A_108 = tpu.memref_squeeze %dma_wait3A_107 : memref<1x128x8x32xf32, #tpu.memory_space<vmem>> -> memref<128x8x32xf32, #tpu.memory_space<vmem>>
    %dma_wait3A_109 = arith.constant 0 : i32
    %dma_wait3A_110 = tpu.memref_slice %arg5[%dma_wait3A_102, %dma_wait3A_109] : memref<4x128xi32, #tpu.memory_space<vmem>> -> memref<1x128xi32, #tpu.memory_space<vmem>>
    %dma_wait3A_111 = tpu.memref_squeeze %dma_wait3A_110 : memref<1x128xi32, #tpu.memory_space<vmem>> -> memref<128xi32, #tpu.memory_space<vmem>>
    %dma_wait3A_112 = arith.constant 0 : i32
    %dma_wait3A_113 = arith.constant 0 : i32
    %dma_wait3A_114 = arith.constant 0 : i32
    %dma_wait3A_115 = tpu.memref_slice %arg3[%dma_wait3A_112, %dma_wait3A_113, %dma_wait3A_114] : memref<125000x8x32xf32, #tpu.memory_space<hbm>> -> memref<125000x8x32xf32, #tpu.memory_space<hbm>>
    tpu.wait_indirect_dma semaphore(%arg8 : memref<!tpu.dma_semaphore, #tpu.memory_space<semaphore_mem>>) src(%dma_wait3A_115 : memref<125000x8x32xf32, #tpu.memory_space<hbm>>) dst(%dma_wait3A_108 : memref<128x8x32xf32, #tpu.memory_space<vmem>>)
    %run_scoped3A_116 = arith.constant 1 : i32
    %run_scoped3A_117 = arith.constant 3 : i32
    "tpu.region"() ({
      %run_scoped3A_118 = tpu.sem_alloc : memref<!tpu.dma_semaphore, #tpu.memory_space<semaphore_mem>>
      %dma_start3A_119 = arith.constant 0 : i32
      %dma_start3A_120 = arith.constant 0 : i32
      %dma_start3A_121 = arith.constant 0 : i32
      %dma_start3A_122 = tpu.memref_slice %arg6[%run_scoped3A_116, %dma_start3A_119, %dma_start3A_120, %dma_start3A_121] : memref<2x128x8x32xf32, #tpu.memory_space<vmem>> -> memref<1x128x8x32xf32, #tpu.memory_space<vmem>>
      %dma_start3A_123 = tpu.memref_squeeze %dma_start3A_122 : memref<1x128x8x32xf32, #tpu.memory_space<vmem>> -> memref<128x8x32xf32, #tpu.memory_space<vmem>>
      %dma_start3A_124 = arith.constant 0 : i32
      %dma_start3A_125 = arith.constant 0 : i32
      %dma_start3A_126 = arith.constant 0 : i32
      %dma_start3A_127 = tpu.memref_slice %arg4[%add3A, %run_scoped3A_117, %dma_start3A_124, %dma_start3A_125, %dma_start3A_126] : memref<32x4x128x8x32xf32, #tpu.memory_space<hbm>> -> memref<1x1x128x8x32xf32, #tpu.memory_space<hbm>>
      %dma_start3A_128 = tpu.memref_squeeze %dma_start3A_127 : memref<1x1x128x8x32xf32, #tpu.memory_space<hbm>> -> memref<128x8x32xf32, #tpu.memory_space<hbm>>
      %dma_start3A_129 = arith.constant 0 : i32
      %dma_start3A_130 = arith.constant 0 : i32
      %dma_start3A_131 = arith.constant 0 : i32
      %dma_start3A_132 = tpu.memref_slice %arg4[%add3A, %run_scoped3A_117, %dma_start3A_129, %dma_start3A_130, %dma_start3A_131] : memref<32x4x128x8x32xf32, #tpu.memory_space<hbm>> -> memref<1x1x128x8x32xf32, #tpu.memory_space<hbm>>
      %dma_start3A_133 = tpu.memref_squeeze %dma_start3A_132 : memref<1x1x128x8x32xf32, #tpu.memory_space<hbm>> -> memref<128x8x32xf32, #tpu.memory_space<hbm>>
      %dma_start3A_134 = arith.constant 0 : i32
      %dma_start3A_135 = arith.constant 0 : i32
      %dma_start3A_136 = arith.constant 0 : i32
      %dma_start3A_137 = tpu.memref_slice %arg6[%run_scoped3A_116, %dma_start3A_134, %dma_start3A_135, %dma_start3A_136] : memref<2x128x8x32xf32, #tpu.memory_space<vmem>> -> memref<1x128x8x32xf32, #tpu.memory_space<vmem>>
      %dma_start3A_138 = tpu.memref_squeeze %dma_start3A_137 : memref<1x128x8x32xf32, #tpu.memory_space<vmem>> -> memref<128x8x32xf32, #tpu.memory_space<vmem>>
      tpu.enqueue_dma source(%dma_start3A_138 : memref<128x8x32xf32, #tpu.memory_space<vmem>>) target(%dma_start3A_133 : memref<128x8x32xf32, #tpu.memory_space<hbm>>) target_semaphore(%run_scoped3A_118 : memref<!tpu.dma_semaphore, #tpu.memory_space<semaphore_mem>>)
      %dma_wait3A_139 = arith.constant 0 : i32
      %dma_wait3A_140 = arith.constant 0 : i32
      %dma_wait3A_141 = arith.constant 0 : i32
      %dma_wait3A_142 = tpu.memref_slice %arg6[%run_scoped3A_116, %dma_wait3A_139, %dma_wait3A_140, %dma_wait3A_141] : memref<2x128x8x32xf32, #tpu.memory_space<vmem>> -> memref<1x128x8x32xf32, #tpu.memory_space<vmem>>
      %dma_wait3A_143 = tpu.memref_squeeze %dma_wait3A_142 : memref<1x128x8x32xf32, #tpu.memory_space<vmem>> -> memref<128x8x32xf32, #tpu.memory_space<vmem>>
      %dma_wait3A_144 = arith.constant 0 : i32
      %dma_wait3A_145 = arith.constant 0 : i32
      %dma_wait3A_146 = arith.constant 0 : i32
      %dma_wait3A_147 = tpu.memref_slice %arg4[%add3A, %run_scoped3A_117, %dma_wait3A_144, %dma_wait3A_145, %dma_wait3A_146] : memref<32x4x128x8x32xf32, #tpu.memory_space<hbm>> -> memref<1x1x128x8x32xf32, #tpu.memory_space<hbm>>
      %dma_wait3A_148 = tpu.memref_squeeze %dma_wait3A_147 : memref<1x1x128x8x32xf32, #tpu.memory_space<hbm>> -> memref<128x8x32xf32, #tpu.memory_space<hbm>>
      %dma_wait3A_149 = arith.constant 0 : i32
      %dma_wait3A_150 = arith.constant 0 : i32
      %dma_wait3A_151 = arith.constant 0 : i32
      %dma_wait3A_152 = tpu.memref_slice %arg4[%add3A, %run_scoped3A_117, %dma_wait3A_149, %dma_wait3A_150, %dma_wait3A_151] : memref<32x4x128x8x32xf32, #tpu.memory_space<hbm>> -> memref<1x1x128x8x32xf32, #tpu.memory_space<hbm>>
      %dma_wait3A_153 = tpu.memref_squeeze %dma_wait3A_152 : memref<1x1x128x8x32xf32, #tpu.memory_space<hbm>> -> memref<128x8x32xf32, #tpu.memory_space<hbm>>
      %dma_wait3A_154 = arith.constant 0 : i32
      %dma_wait3A_155 = arith.constant 0 : i32
      %dma_wait3A_156 = arith.constant 0 : i32
      %dma_wait3A_157 = tpu.memref_slice %arg6[%run_scoped3A_116, %dma_wait3A_154, %dma_wait3A_155, %dma_wait3A_156] : memref<2x128x8x32xf32, #tpu.memory_space<vmem>> -> memref<1x128x8x32xf32, #tpu.memory_space<vmem>>
      %dma_wait3A_158 = tpu.memref_squeeze %dma_wait3A_157 : memref<1x128x8x32xf32, #tpu.memory_space<vmem>> -> memref<128x8x32xf32, #tpu.memory_space<vmem>>
      tpu.wait_dma2 semaphore(%run_scoped3A_118 : memref<!tpu.dma_semaphore, #tpu.memory_space<semaphore_mem>>) src(%dma_wait3A_158 : memref<128x8x32xf32, #tpu.memory_space<vmem>>) dst(%dma_wait3A_153 : memref<128x8x32xf32, #tpu.memory_space<hbm>>)
      tpu.yield
    }) : () -> ()
    return
  }
}

</mosaic_0001>

<sc_bundles>
// kernel: gather_offload_async_start
scs
__scs_entry_jumppad:
0x0: {  	(pc) =	sbr.rel $0x88, $3  }
0x1: {  	(tag) =	ssettag $0x0;
	lr =	simm.s32 $0x1  }
0x2: {  	[smem:$0x3F9F] =	sst lr;
	_ =	strace $0xD0000000  }
0x3: {  	_ = 	snop  }
0x4: {  	_ = 	snop  }
0x5: {  	_ = 	snop  }
0x6: {  	_ = 	snop  }
0x7: {  	_ = 	snop  }
__scs_overlays_trampoline_lowered:
0x8: {  	[smem:$0x3FAE] =	sst s0  }
0x9: {  	[smem:$0x3FAF] =	sst s1  }
0xa: {  	[smem:$0x3FB0] =	sst s2  }
0xb: {  	[smem:$0x3FB1] =	sst s3  }
0xc: {  	[smem:$0x3FB2] =	sst s4  }
0xd: {  	[smem:$0x3FB3] =	sst s5  }
0xe: {  	[smem:$0x3FB4] =	sst s6  }
0xf: {  	[smem:$0x3FB5] =	sst s7  }
0x10: {  	[smem:$0x3FB6] =	sst s8  }
0x11: {  	[smem:$0x3FB7] =	sst s9;
	s0 =	simm.s32 @!p0 $0x0  }
0x12: {  	s1 =	sld [smem:$0x3F9D];
	s0 =	simm.s32 @p0 $0x1  }
0x13: {  	[smem:$0x3FB8] =	sst s0;
	s0 =	simm.s32 @!p1 $0x0  }
0x14: {  	s2 =	sld [smem:$0x3F9C];
	s0 =	simm.s32 @p1 $0x1  }
0x15: {  	[smem:$0x3FB9] =	sst s0;
	s0 =	simm.s32 @!p2 $0x0  }
0x16: {  	s3 =	sld [smem:$0x3FDB];
	s0 =	simm.s32 @p2 $0x1  }
0x17: {  	s4 =	simm.s32 $0x1BF5;
	[smem:$0x3FBB] =	sst s0  }
0x18: {  	s0 =	sld [smem:$0x3F9E];
	_ =	swait.ge [sflag:s4], $0x0  }
0x19: {  	s7 =	sld [smem:$0x3F9F]  }
0x1a: {  	s8 =	sadd.s32 $0xFFFFE003, lr  }
0x1b: {  	s9 =	sadd.s32 $0xFFFFFEF7, lr;
	s5 =	simm.s32 $0xFFFFFFFF;
	p2 =	slt.u32 s8, $0xFFFFF086  }
0x1c: {  	p1 =	slt.u32 s9, $0xF7A;
	s5 =	simm.s32 @!p2 $0x0  }
0x1d: {  	s5 =	simm.s32 @p1 $0x1;
	p0 =	seq.s32 s7, s2  }
0x1e: {  	s7 =	smul.u32 @!p0 $0xF7A, s2;
	p2 =	seq.s32 @!p0 s5, $0x0  }
0x1f: {  	s9 =	smul.u32 $0xF7A, s1;
	s8 =	simm.s32 @!p0 $0x1BF5;
	p2 =	por !p2, p0  }
0x20: {  	[sflag:s8] =	ssyncset.s32 @!p0 $0xFFFFF086;
	s6 =	sadd.s32 @!p0 s3, s7;
	s7 =	simm.s32 @!p0 $0x108  }
0x21: {  	s3 =	sadd.s32 s3, s9;
	s6 =	sadd.s32 @!p0 $0x88, s6;
	s7 =	simm.s32 @p2 $0x1082  }
0x22: {  	[simem:s7], [sflag:s8] =	dma.local @!p0 [hbm:s6], $0xF7A  }
0x23: {  	s9 =	sor.u32 $0xD0000000, s2;
	s6 =	simm.s32 $0x108;
	_ =	swait.ge @!p0 [sflag:s8], $0x0  }
0x24: {  	s3 =	sadd.s32 $0x88, s3;
	s6 =	simm.s32 @!p1 $0x1082;
	[sflag:s4] =	ssyncset.s32 $0xFFFFF086  }
0x25: {  	[simem:s6], [sflag:s4] =	dma.local [hbm:s3], $0xF7A  }
0x26: {  	[smem:$0x3F9F] =	sst s1;
	(tag) =	ssettag s2;
	_ =	strace s9  }
0x27: {  	s1 =	sld [smem:$0x3FAF]  }
0x28: {  	s2 =	sld [smem:$0x3FB0]  }
0x29: {  	s4 =	sld [smem:$0x3FB2]  }
0x2a: {  	p0 =	seq.s32 s5, $0x0;
	s5 =	sld [smem:$0x3FB3]  }
0x2b: {  	s6 =	sld [smem:$0x3FB4]  }
0x2c: {  	s7 =	sld [smem:$0x3FB5]  }
0x2d: {  	s3 =	simm.s32 $0x108;
	s8 =	sld [smem:$0x3FB6]  }
0x2e: {  	s3 =	simm.s32 @!p0 $0x1082;
	s9 =	sld [smem:$0x3FB7]  }
0x2f: {  	lr =	sadd.s32 s0, s3;
	s0 =	sld [smem:$0x3FAE]  }
0x30: {  	s3 =	sld [smem:$0x3FB1]  }
0x31: {  	[smem:$0x3FBA] =	sst s10  }
0x32: {  	s10 =	sld [smem:$0x3FB8];
	_ =	sdelay $0x3  }
0x33: {  	p0 =	seq.s32 s10, $0x1;
	s10 =	sld [smem:$0x3FBA];
	_ =	sdelay $0x3  }
0x34: {  	[smem:$0x3FBA] =	sst s10  }
0x35: {  	s10 =	sld [smem:$0x3FB9];
	_ =	sdelay $0x3  }
0x36: {  	p1 =	seq.s32 s10, $0x1;
	s10 =	sld [smem:$0x3FBA];
	_ =	sdelay $0x3  }
0x37: {  	[smem:$0x3FBA] =	sst s10  }
0x38: {  	s10 =	sld [smem:$0x3FBB]  }
0x39: {  	_ = 	snop;
	(pc) =	sbr.ind lr, $3  }
0x3a: {  	_ = 	snop  }
0x3b: {  	_ = 	snop  }
0x3c: {  	p2 =	seq.s32 s10, $0x1;
	s10 =	sld [smem:$0x3FBA]  }
0x3d: {  	_ =	shalt  }
0x3e: {  	_ =	shalt  }
0x3f: {  	_ =	shalt  }
0x40: {  	_ =	shalt  }
0x41: {  	_ =	shalt  }
0x42: {  	_ =	shalt  }
0x43: {  	_ =	shalt  }
0x44: {  	_ =	shalt  }
0x45: {  	_ =	shalt  }
0x46: {  	_ =	shalt  }
0x47: {  	_ =	shalt  }
0x48: {  	_ =	shalt  }
0x49: {  	_ =	shalt  }
0x4a: {  	_ =	shalt  }
0x4b: {  	_ =	shalt  }
0x4c: {  	_ =	shalt  }
0x4d: {  	_ =	shalt  }
0x4e: {  	_ =	shalt  }
0x4f: {  	_ =	shalt  }
0x50: {  	_ =	shalt  }
0x51: {  	_ =	shalt  }
0x52: {  	_ =	shalt  }
0x53: {  	_ =	shalt  }
0x54: {  	_ =	shalt  }
0x55: {  	_ =	shalt  }
0x56: {  	_ =	shalt  }
0x57: {  	_ =	shalt  }
0x58: {  	_ =	shalt  }
0x59: {  	_ =	shalt  }
0x5a: {  	_ =	shalt  }
0x5b: {  	_ =	shalt  }
0x5c: {  	_ =	shalt  }
0x5d: {  	_ =	shalt  }
0x5e: {  	_ =	shalt  }
0x5f: {  	_ =	shalt  }
0x60: {  	_ =	shalt  }
0x61: {  	_ =	shalt  }
0x62: {  	_ =	shalt  }
0x63: {  	_ =	shalt  }
0x64: {  	_ =	shalt  }
0x65: {  	_ =	shalt  }
0x66: {  	_ =	shalt  }
0x67: {  	_ =	shalt  }
0x68: {  	_ =	shalt  }
0x69: {  	_ =	shalt  }
0x6a: {  	_ =	shalt  }
0x6b: {  	_ =	shalt  }
0x6c: {  	_ =	shalt  }
0x6d: {  	_ =	shalt  }
0x6e: {  	_ =	shalt  }
0x6f: {  	_ =	shalt  }
0x70: {  	_ =	shalt  }
0x71: {  	_ =	shalt  }
0x72: {  	_ =	shalt  }
0x73: {  	_ =	shalt  }
0x74: {  	_ =	shalt  }
0x75: {  	_ =	shalt  }
0x76: {  	_ =	shalt  }
0x77: {  	_ =	shalt  }
0x78: {  	_ =	shalt  }
0x79: {  	_ =	shalt  }
0x7a: {  	_ =	shalt  }
0x7b: {  	_ =	shalt  }
0x7c: {  	_ =	shalt  }
0x7d: {  	_ =	shalt  }
0x7e: {  	_ =	shalt  }
0x7f: {  	_ =	shalt  }
0x80: {  	_ =	shalt  }
0x81: {  	_ =	shalt  }
0x82: {  	_ =	shalt  }
0x83: {  	_ =	shalt  }
0x84: {  	_ =	shalt  }
0x85: {  	_ =	shalt  }
0x86: {  	_ =	shalt  }
0x87: {  	_ =	shalt  }
.Lfunc_end0:
.L_simem_size_0:
called_computation_lowered:
.L_overlay_start_0:
0x88: {  	s2 =	sld [smem:$0x3FD9]  }
0x89: {  	s3 =	sld [smem:$0x3FFE];
	_ =	sdelay $0x1  }
0x8a: {  	s1 =	srdreg.scid  }
0x8b: {  	s0 =	sand.u32 $0x1, s1  }
0x8c: {  	s17 =	sshll.u32 s0, $0xA;
	s2 =	sadd.s32 s3, s2  }
0x8d: {  	s2 =	sadd.s32 s2, s17  }
0x8e: {  	[smem:$0x3FC6] =	sst s2  }
0x8f: {  	_ = 	snop  }
0x90: {  	s2 =	sld [smem:$0x3FD0];
	(tm) =	ssettm $0x1  }
0x91: {  	s18 =	sld [smem:$0x3FFB];
	_ =	sdelay $0x3  }
0x92: {  	_ =	strace s18  }
0x93: {  	s3 =	sld [smem:$0x3FFC];
	_ =	sdelay $0x3  }
0x94: {  	_ =	strace s3  }
0x95: {  	s3 =	sld [smem:$0x3FFD];
	_ =	sdelay $0x3  }
0x96: {  	_ =	strace s3  }
0x97: {  	_ =	strace $0x8FFFFFFF  }
0x98: {  	s19 =	sld [smem:$0x3FDB];
	_ =	sdelay $0x1  }
0x99: {  	s4 =	simm.s32 $_scs_section_size  }
0x9a: {  	s5 =	simm.s32 $_size__tile_overlayer_lowered;
	s6 =	simm.s32 $_tile_overlayer_lowered  }
0x9b: {  	s22 =	simm.s32 $0x1BFF;
	s21 =	sshll.u32 s6, $0x1;
	s3 =	sadd.s32 s4, s19  }
0x9c: {  	s7 =	simm.s32 $0x0;
	s20 =	sshll.u32 s5, $0x1;
	s5 =	sadd.s32 s21, s3  }
0x9d: {  	[timem:s7], [sflag:s22] =	dma.local [hbm:s5], s20  }
0x9e: {  	_ =	swait.ge [sflag:s22], s20  }
0x9f: {  	s4 =	ssub.s32 $0x0, s20;
	[sflag:s22] =	ssyncset.done $0x0  }
0xa0: {  	[sflag:s22] =	ssyncadd.s32 s4;
	_ =	sdelay $0x1  }
0xa1: {  	s23 =	simm.s32 $0x1B8B  }
0xa2: {  	_ =	swait.ge [sflag:s23], $0x1  }
0xa3: {  	[sflag:s23] =	ssyncset.done $0x0  }
0xa4: {  	s25 =	simm.s32 $0x1B8E;
	s24 =	sld [smem:$0x3FFE];
	[sflag:s23] =	ssyncadd.s32 $0xFFFFFFFF  }
0xa5: {  	s26 =	simm.s32 $execute0_lowered;
	[smem:$0x3FD2] =	sst s25  }
0xa6: {  	s5 =	sshll.u32 s26, $0x1;
	_ =	strace $0x80000049;
	[dreg:$0x1] =	wrdreg $0xFFFFFFFF  }
0xa7: {  	s28 =	simm.s32 $_size_execute0_lowered;
	s3 =	sadd.s32 s3, s5;
	[dreg:$0x0] =	wrdreg $0x0  }
0xa8: {  	s5 =	sshll.u32 s28, $0x1;
	[dreg:$0x2] =	wrdreg s3  }
0xa9: {  	[dreg:$0x3] =	wrdreg s5  }
0xaa: {  	[dreg:$0x4] =	wrdreg $0xC0  }
0xab: {  	_ =	task [dreg:s7], $0x5FFFF  }
0xac: {  	[dreg:$0x1] =	wrdreg $0xFFFFFFFF  }
0xad: {  	[dreg:$0x0] =	wrdreg $0x60  }
0xae: {  	[dreg:$0x2] =	wrdreg s24  }
0xaf: {  	[dreg:$0x3] =	wrdreg s2  }
0xb0: {  	[dreg:$0x4] =	wrdreg $0x9  }
0xb1: {  	_ =	task.clear_ibuf [dreg:s7], $0x5FFFF;
	_ =	strace $0x90000049  }
0xb2: {  	s29 =	simm.s32 $0x9;
	_ =	strace $0x8000004B  }
0xb3: {  	_ =	swait.ge [sflag:s29], $0x1  }
0xb4: {  	[sflag:s29] =	ssyncadd.s32 $0xFFFFFFFF  }
0xb5: {  	_ =	strace $0x9000004B  }
0xb6: {  	_ =	sfence  }
0xb7: {  	s30 =	sld [smem:$0x0];
	_ =	sdelay $0x2  }
0xb8: {  	s31 =	sshll.u32 s1, $0xD;
	s1 =	sshrl.u32 s1, $0x2  }
0xb9: {  	s3 =	sand.u32 $0x4000, s31;
	s1 =	sadd.s32 s1, s30  }
0xba: {  	s0 =	sor.u32 s3, s0;
	s1 =	sshll.u32 s1, $0x11  }
0xbb: {  	s0 =	sor.u32 s1, s0  }
0xbc: {  	s0 =	sadd.s32 $0x8F2B, s0  }
0xbd: {  	[sflag:s0] =	ssyncadd.remote.s32 $0x1  }
0xbe: {  	_ =	sfence.sel $0xFFFF  }
0xbf: {  	[dreg:$0x0] =	wrdreg $0xFFFFFFFF;
	(pc) =	sbr.abs _section_cstart, $3  }
0xc0: {  	[dreg:$0x1] =	wrdreg $0xFFFFFFFF  }
0xc1: {  	_ =	task.clear_ibuf [dreg:s7], $0x2FFFF;
	_ =	strace $0x9FFFFFFF  }
0xc2: {  	(tm) =	ssettm $0x7FFFFFFF  }
0xc3: {  	_ =	shalt  }
tec
execute0_lowered:
.L_overlay_start_1:
0x0: {  	(tag) =	ssettag $0x1  }
0x1: {  	s7 =	rddreg [dreg:$0x0]  }
0x2: {  	s2 =	rddreg [dreg:$0x1]  }
0x3: {  	s0 =	rddreg [dreg:$0x2]  }
0x4: {  	s1 =	srdreg.scid;
	_ =	strace $0x8000004A;
	s4 =	simm.s32 $0x1  }
0x5: {  	s9 =	simm.s32 $0x3;
	s11 =	simm.s32 $0x0;
	s5 =	sshll.u32 s1, $0x4  }
.Ltmp0:
0x6: {  	s1 =	stileid.u32;
	s5 =	sand.u32 $0x10, s5;
	(pc) =	sbr.rel .LBB2_1-.Ltmp0, $4  }
0x7: {  	p0 =	por $0x0, $0x0;
	s3 =	sadd.s32 $0x81600, s7;
	s6 =	sor.u32 s1, s5  }
0x8: {  	[sflag:s4] =	ssyncpa.u1 $0x0;
	s5 =	simm.s32 $0x2;
	s6 =	sshll.u32 s6, $0x9  }
0x9: {  	s7 =	sadd.s32 $0xE00, s7;
	[sflag:s5] =	ssyncpa.u1 $0x0;
	s8 =	sadd.s32 $0x200, s6  }
0xa: {  	vm0 =	vmmov $0xff;
	vm1 =	vcmask $0x3F20;
	[sflag:s9] =	ssyncpa.u1 $0x0;
	s10 =	smov.u32 s6;
	s9 =	simm.s32 $0x0  }
.LBB2_7:
0xb: {  	p1 =	slt.u32 s9, $0x2;
	s11 =	sadd.s32 $0x100, s10  }
0xc: {  	s13 =	smov.u32 s6;
	s9 =	sadd.s32 $0x1, s9;
	p2 =	slt.s32 s11, s8  }
0xd: {  	s13 =	smov.u32 @p2 s11;
	p2 =	sne.s32 s9, $0x4  }
.Ltmp1:
0xe: {  	_ = 	snop;
	(pc) =	sbr.rel @!p2 .LBB2_8-.Ltmp1, $4  }
0xf: {  	s12 =	simm.s32 @!p1 $0x3  }
0x10: {  	_ =	swait.ge @!p1 [sflag:s12], $0x8000  }
0x11: {  	p0 =	por !p0, !p0;
	[sflag:s12] =	ssyncset.done @!p1 $0x0  }
0x12: {  	s11 =	smov.u32 s10;
	s10 =	smov.u32 s13;
	[sflag:s12] =	ssyncadd.s32 @!p1 $0xFFFF8000  }
.LBB2_1:
0x13: {  	p1 =	sgt.u32 s9, $0x1  }
0x14: {  	s12 =	sshll.u32 @!p1 s9, $0x8;
	s13 =	sshrl.u32 @!p1 s10, $0x3  }
0x15: {  	s14 =	sand.u32 @!p1 $0x7, s10;
	s12 =	sxor.u32 @!p1 $0x100, s12;
	s13 =	sadd.s32 @!p1 s2, s13  }
0x16: {  	[tilespmem:s12], [sflag:$0x2] =	stream.linear.gather @!p1 [hbm4b:s13+s14], $0x100, $0x38;
	[tilespmem:$0x10200] =	vst v63  }
0x17: {  	p1 =	seq.s32 s9, $0x0  }
0x18: {  	p2 =	seq.s32 @!p1 s9, $0x3  }
0x19: {  	p1 =	por p1, p2  }
.Ltmp2:
0x1a: {  	_ = 	snop;
	(pc) =	sbr.rel @p1 .LBB2_7-.Ltmp2, $1  }
0x1b: {  	_ =	sdelay $0x3  }
0x1c: {  	s12 =	simm.s32 $0x1  }
0x1d: {  	_ =	swait.ge [sflag:s5], $0x100;
	s12 =	simm.s32 @!p0 $0x0  }
0x1e: {  	[sflag:s5] =	ssyncset.done $0x0;
	s14 =	sshll.u32 s12, $0x8  }
0x1f: {  	[sflag:s5] =	ssyncadd.s32 $0xFFFFFF00;
	s13 =	sadd.s32 $0x0, s14  }
0x20: {  	v0 =	vld.msk [tilespmem:s13+$0x0 ss:$0x1], $0xffff;
	_ =	sdelay $0x4  }
0x21: {  	v1 =	vshrl.u32 v0, $0xE  }
0x22: {  	vm2 =	veq.s32 v0, $0x80000000;
	v0 =	vshll.u32 v0, $0xA;
	v1 =	vand.u32 $0x7, v1  }
0x23: {  	v0 =	vand.u32 $0xFFFC00, v0;
	v1 =	vsel vm2, $0xFFFFFFFF, v1  }
0x24: {  	v0 =	vsel vm2, $0xFFFFFC00, v0;
	v2 =	vand.u32 $0xFFFFFC00, v1;
	v1 =	vshll.u32 v1, $0x7  }
0x25: {  	v0 =	vadd.s32 v0, v2;
	v1 =	vand.u32 $0x380, v1  }
0x26: {  	v0 =	vor.u32 v1, v0  }
0x27: {  	v0 =	vshrl.u32 v0, $0x3;
	_ =	sdelay $0x2  }
0x28: {  	s12 =	sshll.u32 s12, $0xF  }
0x29: {  	s12 =	sor.u32 $0x200, s12  }
0x2a: {  	[tilespmem:s12], [sflag:$0x1] =	stream.indirect_vreg.gather [hbm:s3], $0x80, v0, vm0, $0x38;
	[tilespmem:$0x10200] =	vst v63  }
0x2b: {  	s15 =	sadd.s32 $0x10, s14;
	s13 =	sadd.s32 $0x400, s12  }
0x2c: {  	[tilespmem:s13], [sflag:$0x1] =	stream.indirect_vreg.gather [hbm:s3], $0x80, v0, vm1, $0x38;
	[tilespmem:$0x10200] =	vst v63  }
0x2d: {  	s16 =	simm.s32 $0x80;
	v0 =	vld.msk [tilespmem:s15+$0x0 ss:$0x1], $0xffff;
	s15 =	smov.u32 s12  }
.LBB2_3:
0x2e: {  	p1 =	sne.s32 s16, $0x3C0;
	_ =	sdelay $0x4  }
0x2f: {  	v1 =	vshrl.u32 v0, $0xE  }
0x30: {  	vm2 =	veq.s32 v0, $0x80000000;
	v0 =	vshll.u32 v0, $0xA;
	v1 =	vand.u32 $0x7, v1  }
0x31: {  	v0 =	vand.u32 $0xFFFC00, v0;
	v1 =	vsel vm2, $0xFFFFFFFF, v1  }
0x32: {  	v0 =	vsel vm2, $0xFFFFFC00, v0;
	v2 =	vand.u32 $0xFFFFFC00, v1;
	v1 =	vshll.u32 v1, $0x7  }
0x33: {  	v0 =	vadd.s32 v0, v2;
	v1 =	vand.u32 $0x380, v1  }
0x34: {  	v0 =	vor.u32 v1, v0  }
0x35: {  	v0 =	vshrl.u32 v0, $0x3;
	_ =	sdelay $0x3  }
.Ltmp3:
0x36: {  	s17 =	sshra.s32 s16, $0x2;
	s15 =	sadd.s32 $0x800, s15;
	(pc) =	sbr.rel @p1 .LBB2_3-.Ltmp3, $4  }
0x37: {  	[tilespmem:s15], [sflag:$0x1] =	stream.indirect_vreg.gather [hbm:s3], $0x80, v0, vm0, $0x38;
	[tilespmem:$0x10200] =	vst v63  }
0x38: {  	s17 =	sadd.s32 s17, s14;
	s18 =	sadd.s32 $0x400, s15  }
0x39: {  	[tilespmem:s18], [sflag:$0x1] =	stream.indirect_vreg.gather [hbm:s3], $0x80, v0, vm1, $0x38;
	[tilespmem:$0x10200] =	vst v63  }
0x3a: {  	s16 =	sadd.s32 $0x40, s16;
	v0 =	vld.msk [tilespmem:s17+$0x0 ss:$0x1], $0xffff  }
0x3b: {  	_ =	sdelay $0x3  }
0x3c: {  	v1 =	vshrl.u32 v0, $0xE  }
0x3d: {  	vm2 =	veq.s32 v0, $0x80000000;
	v63 =	vshll.u32 v0, $0xA;
	v1 =	vand.u32 $0x7, v1  }
0x3e: {  	v0 =	vand.u32 $0xFFFC00, v63;
	v1 =	vsel vm2, $0xFFFFFFFF, v1  }
0x3f: {  	v0 =	vsel vm2, $0xFFFFFC00, v0;
	v2 =	vand.u32 $0xFFFFFC00, v1;
	v1 =	vshll.u32 v1, $0x7  }
0x40: {  	v0 =	vadd.s32 v0, v2;
	v1 =	vand.u32 $0x380, v1  }
0x41: {  	v0 =	vor.u32 v1, v0  }
0x42: {  	v0 =	vshrl.u32 v0, $0x3;
	_ =	sdelay $0x3  }
0x43: {  	s14 =	sadd.s32 $0x800, s15  }
0x44: {  	[tilespmem:s14], [sflag:$0x1] =	stream.indirect_vreg.gather [hbm:s3], $0x80, v0, vm0, $0x38;
	[tilespmem:$0x10200] =	vst v63  }
0x45: {  	s14 =	sadd.s32 $0x400, s14  }
0x46: {  	[tilespmem:s14], [sflag:$0x1] =	stream.indirect_vreg.gather [hbm:s3], $0x80, v0, vm1, $0x38;
	[tilespmem:$0x10200] =	vst v63  }
0x47: {  	s11 =	sshll.u32 s11, $0x4;
	_ =	swait.ge [sflag:s4], $0x8000  }
0x48: {  	s11 =	sadd.s32 s11, s7;
	[sflag:s4] =	ssyncset.done $0x0  }
0x49: {  	s15 =	sadd.s32 $0x0, s11;
	s14 =	simm.s32 $0x80;
	[sflag:s4] =	ssyncadd.s32 $0xFFFF8000  }
.LBB2_5:
0x4a: {  	[hbm:s15] =	stream.linear.scatter [tilespmem:s12], [sflag:$0x3], $0x400, $0x38;
	[tilespmem:$0x10200] =	vst v63  }
0x4b: {  	s15 =	smov.u32 s14;
	s12 =	smov.u32 s13;
	p1 =	sne.s32 s14, $0xF80  }
.Ltmp4:
0x4c: {  	s14 =	sadd.s32 $0x80, s14;
	(pc) =	sbr.rel @p1 .LBB2_5-.Ltmp4, $2  }
0x4d: {  	_ =	sdelay $0x2  }
0x4e: {  	s13 =	sadd.s32 $0x400, s13;
	s15 =	sadd.s32 s15, s11  }
.Ltmp5:
0x4f: {  	(pc) =	sbr.rel .LBB2_7-.Ltmp5, $2  }
0x50: {  	_ =	sdelay $0x2  }
0x51: {  	[hbm:s15] =	stream.linear.scatter [tilespmem:s12], [sflag:$0x3], $0x400, $0x38;
	[tilespmem:$0x10200] =	vst v63  }
.LBB2_8:
0x52: {  	_ =	sfence.sel $0x180000  }
0x53: {  	s2 =	simm.s32 $0x2;
	[bflag:$0x0] =	sbarrier.arrive $0xFFFF  }
0x54: {  	s30 =	simm.s32 $0x3;
	[sflag:s2] =	ssyncpa.u1 $0x1  }
0x55: {  	s31 =	simm.s32 $0x1;
	[sflag:s30] =	ssyncpa.u1 $0x1  }
0x56: {  	[sflag:s31] =	ssyncpa.u1 $0x1  }
0x57: {  	p0 =	sne.s32 s1, $0x0;
	_ =	strace $0x9000004A  }
0x58: {  	s0 =	sadd.s32 @!p0 $0x100000, s0;
	[bflag:$0x2] =	sbarrier.arrive $0xFFFF  }
0x59: {  	[sflag:s0] =	ssyncadd.tile.s32 @!p0 $0x1;
	_ =	shalt  }
.Lfunc_end2:
_tile_overlayer_lowered:
.L_overlay_start_2:
0x5a: {  	(tag) =	ssettag $0x2  }
0x5b: {  	s0 =	rddreg [dreg:$0x0];
	s2 =	stileid.u32  }
0x5c: {  	s1 =	rddreg [dreg:$0x1];
	p0 =	sne.s32 s2, $0x0  }
0x5d: {  	s3 =	rddreg [dreg:$0x2];
	[bflag:$0x3] =	sbarrier.arrive $0xFFFF;
	s2 =	simm.s32 @!p0 $0x1C01  }
0x5e: {  	[timem:s3], [sflag:s2] =	dma.local @!p0 [hbm:s0], s1  }
0x5f: {  	s0 =	simm.s32 @!p0 $0x1  }
0x60: {  	_ =	swait.ge @!p0 [sflag:s0], s1  }
0x61: {  	s1 =	ssub.s32 @!p0 $0x0, s1;
	[sflag:s0] =	ssyncset.done @!p0 $0x0  }
0x62: {  	[sflag:s0] =	ssyncadd.s32 @!p0 s1  }
0x63: {  	[bflag:$0x3] =	sbarrier.arrive $0xFFFF  }
0x64: {  	_ =	shalt  }

// kernel: kernel.3.cloned.1.call-start
scs
__scs_entry_jumppad:
0x0: {  	(pc) =	sbr.rel $0x88, $3  }
0x1: {  	(tag) =	ssettag $0x0;
	lr =	simm.s32 $0x1  }
0x2: {  	[smem:$0x3F9F] =	sst lr;
	_ =	strace $0xD0000000  }
0x3: {  	_ = 	snop  }
0x4: {  	_ = 	snop  }
0x5: {  	_ = 	snop  }
0x6: {  	_ = 	snop  }
0x7: {  	_ = 	snop  }
__scs_overlays_trampoline_lowered:
0x8: {  	[smem:$0x3FAE] =	sst s0  }
0x9: {  	[smem:$0x3FAF] =	sst s1  }
0xa: {  	[smem:$0x3FB0] =	sst s2  }
0xb: {  	[smem:$0x3FB1] =	sst s3  }
0xc: {  	[smem:$0x3FB2] =	sst s4  }
0xd: {  	[smem:$0x3FB3] =	sst s5  }
0xe: {  	[smem:$0x3FB4] =	sst s6  }
0xf: {  	[smem:$0x3FB5] =	sst s7  }
0x10: {  	[smem:$0x3FB6] =	sst s8  }
0x11: {  	[smem:$0x3FB7] =	sst s9;
	s0 =	simm.s32 @!p0 $0x0  }
0x12: {  	s1 =	sld [smem:$0x3F9D];
	s0 =	simm.s32 @p0 $0x1  }
0x13: {  	[smem:$0x3FB8] =	sst s0;
	s0 =	simm.s32 @!p1 $0x0  }
0x14: {  	s2 =	sld [smem:$0x3F9C];
	s0 =	simm.s32 @p1 $0x1  }
0x15: {  	[smem:$0x3FB9] =	sst s0;
	s0 =	simm.s32 @!p2 $0x0  }
0x16: {  	s3 =	sld [smem:$0x3FDB];
	s0 =	simm.s32 @p2 $0x1  }
0x17: {  	s4 =	simm.s32 $0x1BF5;
	[smem:$0x3FBB] =	sst s0  }
0x18: {  	s0 =	sld [smem:$0x3F9E];
	_ =	swait.ge [sflag:s4], $0x0  }
0x19: {  	s7 =	sld [smem:$0x3F9F]  }
0x1a: {  	s8 =	sadd.s32 $0xFFFFE003, lr  }
0x1b: {  	s9 =	sadd.s32 $0xFFFFFEF7, lr;
	s5 =	simm.s32 $0xFFFFFFFF;
	p2 =	slt.u32 s8, $0xFFFFF086  }
0x1c: {  	p1 =	slt.u32 s9, $0xF7A;
	s5 =	simm.s32 @!p2 $0x0  }
0x1d: {  	s5 =	simm.s32 @p1 $0x1;
	p0 =	seq.s32 s7, s2  }
0x1e: {  	s7 =	smul.u32 @!p0 $0xF7A, s2;
	p2 =	seq.s32 @!p0 s5, $0x0  }
0x1f: {  	s9 =	smul.u32 $0xF7A, s1;
	s8 =	simm.s32 @!p0 $0x1BF5;
	p2 =	por !p2, p0  }
0x20: {  	[sflag:s8] =	ssyncset.s32 @!p0 $0xFFFFF086;
	s6 =	sadd.s32 @!p0 s3, s7;
	s7 =	simm.s32 @!p0 $0x108  }
0x21: {  	s3 =	sadd.s32 s3, s9;
	s6 =	sadd.s32 @!p0 $0x88, s6;
	s7 =	simm.s32 @p2 $0x1082  }
0x22: {  	[simem:s7], [sflag:s8] =	dma.local @!p0 [hbm:s6], $0xF7A  }
0x23: {  	s9 =	sor.u32 $0xD0000000, s2;
	s6 =	simm.s32 $0x108;
	_ =	swait.ge @!p0 [sflag:s8], $0x0  }
0x24: {  	s3 =	sadd.s32 $0x88, s3;
	s6 =	simm.s32 @!p1 $0x1082;
	[sflag:s4] =	ssyncset.s32 $0xFFFFF086  }
0x25: {  	[simem:s6], [sflag:s4] =	dma.local [hbm:s3], $0xF7A  }
0x26: {  	[smem:$0x3F9F] =	sst s1;
	(tag) =	ssettag s2;
	_ =	strace s9  }
0x27: {  	s1 =	sld [smem:$0x3FAF]  }
0x28: {  	s2 =	sld [smem:$0x3FB0]  }
0x29: {  	s4 =	sld [smem:$0x3FB2]  }
0x2a: {  	p0 =	seq.s32 s5, $0x0;
	s5 =	sld [smem:$0x3FB3]  }
0x2b: {  	s6 =	sld [smem:$0x3FB4]  }
0x2c: {  	s7 =	sld [smem:$0x3FB5]  }
0x2d: {  	s3 =	simm.s32 $0x108;
	s8 =	sld [smem:$0x3FB6]  }
0x2e: {  	s3 =	simm.s32 @!p0 $0x1082;
	s9 =	sld [smem:$0x3FB7]  }
0x2f: {  	lr =	sadd.s32 s0, s3;
	s0 =	sld [smem:$0x3FAE]  }
0x30: {  	s3 =	sld [smem:$0x3FB1]  }
0x31: {  	[smem:$0x3FBA] =	sst s10  }
0x32: {  	s10 =	sld [smem:$0x3FB8];
	_ =	sdelay $0x3  }
0x33: {  	p0 =	seq.s32 s10, $0x1;
	s10 =	sld [smem:$0x3FBA];
	_ =	sdelay $0x3  }
0x34: {  	[smem:$0x3FBA] =	sst s10  }
0x35: {  	s10 =	sld [smem:$0x3FB9];
	_ =	sdelay $0x3  }
0x36: {  	p1 =	seq.s32 s10, $0x1;
	s10 =	sld [smem:$0x3FBA];
	_ =	sdelay $0x3  }
0x37: {  	[smem:$0x3FBA] =	sst s10  }
0x38: {  	s10 =	sld [smem:$0x3FBB]  }
0x39: {  	_ = 	snop;
	(pc) =	sbr.ind lr, $3  }
0x3a: {  	_ = 	snop  }
0x3b: {  	_ = 	snop  }
0x3c: {  	p2 =	seq.s32 s10, $0x1;
	s10 =	sld [smem:$0x3FBA]  }
0x3d: {  	_ =	shalt  }
0x3e: {  	_ =	shalt  }
0x3f: {  	_ =	shalt  }
0x40: {  	_ =	shalt  }
0x41: {  	_ =	shalt  }
0x42: {  	_ =	shalt  }
0x43: {  	_ =	shalt  }
0x44: {  	_ =	shalt  }
0x45: {  	_ =	shalt  }
0x46: {  	_ =	shalt  }
0x47: {  	_ =	shalt  }
0x48: {  	_ =	shalt  }
0x49: {  	_ =	shalt  }
0x4a: {  	_ =	shalt  }
0x4b: {  	_ =	shalt  }
0x4c: {  	_ =	shalt  }
0x4d: {  	_ =	shalt  }
0x4e: {  	_ =	shalt  }
0x4f: {  	_ =	shalt  }
0x50: {  	_ =	shalt  }
0x51: {  	_ =	shalt  }
0x52: {  	_ =	shalt  }
0x53: {  	_ =	shalt  }
0x54: {  	_ =	shalt  }
0x55: {  	_ =	shalt  }
0x56: {  	_ =	shalt  }
0x57: {  	_ =	shalt  }
0x58: {  	_ =	shalt  }
0x59: {  	_ =	shalt  }
0x5a: {  	_ =	shalt  }
0x5b: {  	_ =	shalt  }
0x5c: {  	_ =	shalt  }
0x5d: {  	_ =	shalt  }
0x5e: {  	_ =	shalt  }
0x5f: {  	_ =	shalt  }
0x60: {  	_ =	shalt  }
0x61: {  	_ =	shalt  }
0x62: {  	_ =	shalt  }
0x63: {  	_ =	shalt  }
0x64: {  	_ =	shalt  }
0x65: {  	_ =	shalt  }
0x66: {  	_ =	shalt  }
0x67: {  	_ =	shalt  }
0x68: {  	_ =	shalt  }
0x69: {  	_ =	shalt  }
0x6a: {  	_ =	shalt  }
0x6b: {  	_ =	shalt  }
0x6c: {  	_ =	shalt  }
0x6d: {  	_ =	shalt  }
0x6e: {  	_ =	shalt  }
0x6f: {  	_ =	shalt  }
0x70: {  	_ =	shalt  }
0x71: {  	_ =	shalt  }
0x72: {  	_ =	shalt  }
0x73: {  	_ =	shalt  }
0x74: {  	_ =	shalt  }
0x75: {  	_ =	shalt  }
0x76: {  	_ =	shalt  }
0x77: {  	_ =	shalt  }
0x78: {  	_ =	shalt  }
0x79: {  	_ =	shalt  }
0x7a: {  	_ =	shalt  }
0x7b: {  	_ =	shalt  }
0x7c: {  	_ =	shalt  }
0x7d: {  	_ =	shalt  }
0x7e: {  	_ =	shalt  }
0x7f: {  	_ =	shalt  }
0x80: {  	_ =	shalt  }
0x81: {  	_ =	shalt  }
0x82: {  	_ =	shalt  }
0x83: {  	_ =	shalt  }
0x84: {  	_ =	shalt  }
0x85: {  	_ =	shalt  }
0x86: {  	_ =	shalt  }
0x87: {  	_ =	shalt  }
.Lfunc_end0:
.L_simem_size_0:
called_computation.1_lowered:
.L_overlay_start_0:
0x88: {  	s2 =	sld [smem:$0x3FD9]  }
0x89: {  	s3 =	sld [smem:$0x3FFE];
	_ =	sdelay $0x1  }
0x8a: {  	s1 =	srdreg.scid  }
0x8b: {  	s0 =	sand.u32 $0x1, s1  }
0x8c: {  	s16 =	sshll.u32 s0, $0xA;
	s2 =	sadd.s32 s3, s2  }
0x8d: {  	s2 =	sadd.s32 s2, s16  }
0x8e: {  	[smem:$0x3FC6] =	sst s2  }
0x8f: {  	_ = 	snop  }
0x90: {  	(tm) =	ssettm $0x1  }
0x91: {  	s17 =	sld [smem:$0x3FFB];
	_ =	sdelay $0x3  }
0x92: {  	_ =	strace s17  }
0x93: {  	s2 =	sld [smem:$0x3FFC];
	_ =	sdelay $0x3  }
0x94: {  	_ =	strace s2  }
0x95: {  	s2 =	sld [smem:$0x3FFD];
	_ =	sdelay $0x3  }
0x96: {  	_ =	strace s2  }
0x97: {  	_ =	strace $0x8FFFFFFF  }
0x98: {  	s18 =	sld [smem:$0x3FDB];
	_ =	sdelay $0x1  }
0x99: {  	s19 =	simm.s32 $_scs_section_size  }
0x9a: {  	s4 =	simm.s32 $_size__tile_overlayer_lowered;
	s5 =	simm.s32 $_tile_overlayer_lowered  }
0x9b: {  	s22 =	simm.s32 $0x1BFF;
	s21 =	sshll.u32 s5, $0x1;
	s2 =	sadd.s32 s19, s18  }
0x9c: {  	s6 =	simm.s32 $0x0;
	s20 =	sshll.u32 s4, $0x1;
	s4 =	sadd.s32 s21, s2  }
0x9d: {  	[timem:s6], [sflag:s22] =	dma.local [hbm:s4], s20  }
0x9e: {  	_ =	swait.ge [sflag:s22], s20  }
0x9f: {  	s3 =	ssub.s32 $0x0, s20;
	[sflag:s22] =	ssyncset.done $0x0  }
0xa0: {  	[sflag:s22] =	ssyncadd.s32 s3;
	_ =	sdelay $0x1  }
0xa1: {  	s23 =	simm.s32 $0x1B8B  }
0xa2: {  	_ =	swait.ge [sflag:s23], $0x1  }
0xa3: {  	[sflag:s23] =	ssyncset.done $0x0  }
0xa4: {  	s25 =	simm.s32 $0x1B8E;
	s24 =	sld [smem:$0x3FFE];
	[sflag:s23] =	ssyncadd.s32 $0xFFFFFFFF  }
0xa5: {  	s26 =	simm.s32 $execute0_lowered;
	[smem:$0x3FD2] =	sst s25  }
0xa6: {  	s4 =	sshll.u32 s26, $0x1;
	_ =	strace $0x80000046;
	[dreg:$0x1] =	wrdreg $0xFFFFFFFF  }
0xa7: {  	s28 =	simm.s32 $_size_execute0_lowered;
	s2 =	sadd.s32 s2, s4;
	[dreg:$0x0] =	wrdreg $0x0  }
0xa8: {  	s4 =	sshll.u32 s28, $0x1;
	[dreg:$0x2] =	wrdreg s2  }
0xa9: {  	[dreg:$0x3] =	wrdreg s4  }
0xaa: {  	[dreg:$0x4] =	wrdreg $0xC0  }
0xab: {  	_ =	task [dreg:s6], $0x5FFFF  }
0xac: {  	[dreg:$0x1] =	wrdreg $0xFFFFFFFF  }
0xad: {  	[dreg:$0x0] =	wrdreg $0x60  }
0xae: {  	[dreg:$0x2] =	wrdreg s24  }
0xaf: {  	[dreg:$0x3] =	wrdreg $0x9  }
0xb0: {  	_ =	task.clear_ibuf [dreg:s6], $0x4FFFF;
	_ =	strace $0x90000046  }
0xb1: {  	s29 =	simm.s32 $0x9;
	_ =	strace $0x80000048  }
0xb2: {  	_ =	swait.ge [sflag:s29], $0x1  }
0xb3: {  	[sflag:s29] =	ssyncadd.s32 $0xFFFFFFFF  }
0xb4: {  	_ =	strace $0x90000048  }
0xb5: {  	_ =	sfence  }
0xb6: {  	s30 =	sld [smem:$0x0];
	_ =	sdelay $0x2  }
0xb7: {  	s31 =	sshll.u32 s1, $0xD;
	s1 =	sshrl.u32 s1, $0x2  }
0xb8: {  	s3 =	sand.u32 $0x4000, s31;
	s1 =	sadd.s32 s1, s30  }
0xb9: {  	s0 =	sor.u32 s3, s0;
	s1 =	sshll.u32 s1, $0x11  }
0xba: {  	s0 =	sor.u32 s1, s0  }
0xbb: {  	s0 =	sadd.s32 $0x8F2B, s0  }
0xbc: {  	[sflag:s0] =	ssyncadd.remote.s32 $0x1  }
0xbd: {  	_ =	sfence.sel $0xFFFF  }
0xbe: {  	[dreg:$0x0] =	wrdreg $0xFFFFFFFF;
	(pc) =	sbr.abs _section_cstart, $3  }
0xbf: {  	[dreg:$0x1] =	wrdreg $0xFFFFFFFF  }
0xc0: {  	_ =	task.clear_ibuf [dreg:s6], $0x2FFFF;
	_ =	strace $0x9FFFFFFF  }
0xc1: {  	(tm) =	ssettm $0x7FFFFFFF  }
tec
execute0_lowered:
.L_overlay_start_1:
0x0: {  	(tag) =	ssettag $0x1  }
0x1: {  	s1 =	srdreg.scid;
	s0 =	stileid.u32  }
0x2: {  	s16 =	sand.u32 $0x1, s1;
	s30 =	sshll.u32 s0, $0x1  }
0x3: {  	s10 =	rddreg [dreg:$0x0];
	s11 =	sor.u32 s16, s30  }
0x4: {  	s2 =	simm.s32 $0x0;
	s1 =	rddreg [dreg:$0x1];
	s3 =	sshll.u32 s11, $0x6  }
0x5: {  	[smem:$0x7FF] =	sst s2;
	s3 =	sadd.s32 s3, s10  }
0x6: {  	_ =	strace $0x80000047;
	s4 =	sadd.s32 $0xE00, s3;
	s3 =	simm.s32 $0x3  }
0x7: {  	[tilespmem:s2], [sflag:$0x3] =	stream.linear.gather [hbm4b:s4+s2], $0x200, $0x38;
	[tilespmem:$0x10200] =	vst v63  }
0x8: {  	_ =	swait.ge [sflag:s3], $0x200  }
0x9: {  	s6 =	simm.s32 $0x80;
	[sflag:s3] =	ssyncset.done $0x0  }
0xa: {  	s7 =	simm.s32 $0x200;
	s5 =	sadd.s32 $0xF43A00, s10;
	[sflag:s3] =	ssyncadd.s32 $0xFFFFFE00  }
0xb: {  	[tilespmem:s7], [sflag:$0x1] =	stream.indirect.gather [hbm4b:s5+s6], $0x100, s2, s6, $0xb8;
	[tilespmem:$0x10200] =	vst v63  }
0xc: {  	s8 =	simm.s32 $0x8200;
	s9 =	simm.s32 $0x1  }
0xd: {  	[tilespmem:s8], [sflag:$0x2] =	stream.indirect.gather [hbm4b:s5+s6], $0x100, s6, s6, $0xb8;
	[tilespmem:$0x10200] =	vst v63  }
0xe: {  	s11 =	sshll.u32 s11, $0xE;
	_ =	swait.ge [sflag:s9], $0x8000  }
0xf: {  	s17 =	sadd.s32 s11, s10;
	[sflag:s9] =	ssyncset.done $0x0  }
0x10: {  	s10 =	sadd.s32 $0x1600, s17;
	[sflag:s9] =	ssyncadd.s32 $0xFFFF8000  }
0x11: {  	[hbm4b:s10+s2] =	stream.linear.scatter [tilespmem:s7], [sflag:$0x3], $0x8000, $0x38;
	[tilespmem:$0x10200] =	vst v63  }
0x12: {  	_ =	swait.ge [sflag:s3], $0x8000  }
0x13: {  	[sflag:s3] =	ssyncset.done $0x0  }
0x14: {  	s12 =	simm.s32 $0x2;
	s11 =	simm.s32 $0x100;
	[sflag:s3] =	ssyncadd.s32 $0xFFFF8000  }
0x15: {  	[tilespmem:s7], [sflag:$0x1] =	stream.indirect.gather [hbm4b:s5+s6], $0x100, s11, s6, $0xb8;
	[tilespmem:$0x10200] =	vst v63  }
0x16: {  	_ =	swait.ge [sflag:s12], $0x8000  }
0x17: {  	[sflag:s12] =	ssyncset.done $0x0  }
0x18: {  	s13 =	sadd.s32 $0x2600, s17;
	[sflag:s12] =	ssyncadd.s32 $0xFFFF8000  }
0x19: {  	[hbm4b:s13+s2] =	stream.linear.scatter [tilespmem:s8], [sflag:$0x3], $0x8000, $0x38;
	[tilespmem:$0x10200] =	vst v63  }
0x1a: {  	_ =	swait.ge [sflag:s3], $0x8000  }
0x1b: {  	[sflag:s3] =	ssyncset.done $0x0  }
0x1c: {  	s14 =	simm.s32 $0x180;
	[sflag:s3] =	ssyncadd.s32 $0xFFFF8000  }
0x1d: {  	[tilespmem:s8], [sflag:$0x2] =	stream.indirect.gather [hbm4b:s5+s6], $0x100, s14, s6, $0xb8;
	[tilespmem:$0x10200] =	vst v63  }
0x1e: {  	_ =	swait.ge [sflag:s9], $0x8000  }
0x1f: {  	[sflag:s9] =	ssyncset.done $0x0  }
0x20: {  	s16 =	ssub.s32 $0x2, s16;
	s15 =	sadd.s32 $0x3600, s17;
	[sflag:s9] =	ssyncadd.s32 $0xFFFF8000  }
0x21: {  	[hbm4b:s15+s2] =	stream.linear.scatter [tilespmem:s7], [sflag:$0x3], $0x8000, $0x38;
	[tilespmem:$0x10200] =	vst v63  }
0x22: {  	s18 =	sshrl.u32 s16, $0x1;
	_ =	swait.ge [sflag:s3], $0x8000  }
0x23: {  	s18 =	ssub.s32 s16, s18;
	[sflag:s3] =	ssyncset.done $0x0  }
0x24: {  	s31 =	smax.u32 s18, $0x1;
	[sflag:s3] =	ssyncadd.s32 $0xFFFF8000  }
0x25: {  	p0 =	sne.s32 s31, $0x1;
	_ =	swait.ge [sflag:s12], $0x8000  }
.Ltmp0:
0x26: {  	[sflag:s12] =	ssyncset.done $0x0;
	(pc) =	sbr.rel @!p0 .LBB2_2-.Ltmp0, $4  }
0x27: {  	s16 =	sadd.s32 $0x4600, s17;
	[sflag:s12] =	ssyncadd.s32 $0xFFFF8000  }
0x28: {  	[hbm4b:s16+s2] =	stream.linear.scatter [tilespmem:s8], [sflag:$0x3], $0x8000, $0x38;
	[tilespmem:$0x10200] =	vst v63  }
0x29: {  	_ =	swait.ge [sflag:s3], $0x8000  }
0x2a: {  	s17 =	sadd.s32 $0xFFFFFFFF, s31;
	[sflag:s3] =	ssyncset.done $0x0  }
.LBB2_1:
0x2b: {  	p0 =	sne.s32 s17, $0x1;
	s17 =	sadd.s32 $0xFFFFFFFF, s17;
	[sflag:s3] =	ssyncadd.s32 $0xFFFF8000  }
0x2c: {  	[tilespmem:s2], [sflag:$0x3] =	stream.linear.gather [hbm4b:s4+s2], $0x200, $0x38;
	[tilespmem:$0x10200] =	vst v63  }
0x2d: {  	_ =	swait.ge [sflag:s3], $0x200  }
0x2e: {  	[sflag:s3] =	ssyncset.done $0x0  }
0x2f: {  	[sflag:s3] =	ssyncadd.s32 $0xFFFFFE00  }
0x30: {  	[tilespmem:s7], [sflag:$0x1] =	stream.indirect.gather [hbm4b:s5+s6], $0x100, s2, s6, $0xb8;
	[tilespmem:$0x10200] =	vst v63  }
0x31: {  	_ = 	snop  }
0x32: {  	[tilespmem:s8], [sflag:$0x2] =	stream.indirect.gather [hbm4b:s5+s6], $0x100, s6, s6, $0xb8;
	[tilespmem:$0x10200] =	vst v63  }
0x33: {  	_ =	swait.ge [sflag:s9], $0x8000  }
0x34: {  	[sflag:s9] =	ssyncset.done $0x0  }
0x35: {  	[sflag:s9] =	ssyncadd.s32 $0xFFFF8000  }
0x36: {  	[hbm4b:s10+s2] =	stream.linear.scatter [tilespmem:s7], [sflag:$0x3], $0x8000, $0x38;
	[tilespmem:$0x10200] =	vst v63  }
0x37: {  	_ =	swait.ge [sflag:s3], $0x8000  }
0x38: {  	[sflag:s3] =	ssyncset.done $0x0  }
0x39: {  	[sflag:s3] =	ssyncadd.s32 $0xFFFF8000  }
0x3a: {  	[tilespmem:s7], [sflag:$0x1] =	stream.indirect.gather [hbm4b:s5+s6], $0x100, s11, s6, $0xb8;
	[tilespmem:$0x10200] =	vst v63  }
0x3b: {  	_ =	swait.ge [sflag:s12], $0x8000  }
0x3c: {  	[sflag:s12] =	ssyncset.done $0x0  }
0x3d: {  	[sflag:s12] =	ssyncadd.s32 $0xFFFF8000  }
0x3e: {  	[hbm4b:s13+s2] =	stream.linear.scatter [tilespmem:s8], [sflag:$0x3], $0x8000, $0x38;
	[tilespmem:$0x10200] =	vst v63  }
0x3f: {  	_ =	swait.ge [sflag:s3], $0x8000  }
0x40: {  	[sflag:s3] =	ssyncset.done $0x0  }
0x41: {  	[sflag:s3] =	ssyncadd.s32 $0xFFFF8000  }
0x42: {  	[tilespmem:s8], [sflag:$0x2] =	stream.indirect.gather [hbm4b:s5+s6], $0x100, s14, s6, $0xb8;
	[tilespmem:$0x10200] =	vst v63  }
0x43: {  	_ =	swait.ge [sflag:s9], $0x8000  }
0x44: {  	[sflag:s9] =	ssyncset.done $0x0  }
0x45: {  	[sflag:s9] =	ssyncadd.s32 $0xFFFF8000  }
0x46: {  	[hbm4b:s15+s2] =	stream.linear.scatter [tilespmem:s7], [sflag:$0x3], $0x8000, $0x38;
	[tilespmem:$0x10200] =	vst v63  }
0x47: {  	_ =	swait.ge [sflag:s3], $0x8000  }
0x48: {  	[sflag:s3] =	ssyncset.done $0x0  }
0x49: {  	[sflag:s3] =	ssyncadd.s32 $0xFFFF8000  }
0x4a: {  	_ =	swait.ge [sflag:s12], $0x8000  }
.Ltmp1:
0x4b: {  	[sflag:s12] =	ssyncset.done $0x0;
	(pc) =	sbr.rel @p0 .LBB2_1-.Ltmp1, $4  }
0x4c: {  	[sflag:s12] =	ssyncadd.s32 $0xFFFF8000  }
0x4d: {  	[hbm4b:s16+s2] =	stream.linear.scatter [tilespmem:s8], [sflag:$0x3], $0x8000, $0x38;
	[tilespmem:$0x10200] =	vst v63  }
0x4e: {  	_ =	swait.ge [sflag:s3], $0x8000  }
0x4f: {  	[sflag:s3] =	ssyncset.done $0x0  }
.LBB2_2:
0x50: {  	[sflag:s3] =	ssyncadd.s32 $0xFFFF8000  }
0x51: {  	_ =	sfence.sel $0x180000  }
0x52: {  	[bflag:$0x0] =	sbarrier.arrive $0xFFFF  }
0x53: {  	p0 =	sne.s32 s0, $0x0;
	_ =	strace $0x90000047  }
0x54: {  	s0 =	sadd.s32 @!p0 $0x100000, s1;
	[bflag:$0x2] =	sbarrier.arrive $0xFFFF  }
0x55: {  	[sflag:s0] =	ssyncadd.tile.s32 @!p0 $0x1;
	_ =	shalt  }
.Lfunc_end2:
_tile_overlayer_lowered:
.L_overlay_start_2:
0x56: {  	(tag) =	ssettag $0x2  }
0x57: {  	s0 =	rddreg [dreg:$0x0];
	s2 =	stileid.u32  }
0x58: {  	s1 =	rddreg [dreg:$0x1];
	p0 =	sne.s32 s2, $0x0  }
0x59: {  	s3 =	rddreg [dreg:$0x2];
	[bflag:$0x3] =	sbarrier.arrive $0xFFFF;
	s2 =	simm.s32 @!p0 $0x1C03  }
0x5a: {  	[timem:s3], [sflag:s2] =	dma.local @!p0 [hbm:s0], s1  }
0x5b: {  	s0 =	simm.s32 @!p0 $0x3  }
0x5c: {  	_ =	swait.ge @!p0 [sflag:s0], s1  }
0x5d: {  	s1 =	ssub.s32 @!p0 $0x0, s1;
	[sflag:s0] =	ssyncset.done @!p0 $0x0  }
0x5e: {  	[sflag:s0] =	ssyncadd.s32 @!p0 s1  }
0x5f: {  	[bflag:$0x3] =	sbarrier.arrive $0xFFFF  }
0x60: {  	_ =	shalt  }

</sc_bundles>
